<compile_context>
chip_gen: v7x
topology: tpu7x:2x2x1
jax: 0.10.2.dev20260603
libtpu: 0.0.44.dev20260713+nightly
codegen_flags: <defaults>
</compile_context>

<pallas_src>
import jax
import jax.numpy as jnp
from jax import lax
from jax.experimental import pallas as pl
from jax.experimental.pallas import tpu as pltpu
from jax.experimental.pallas import tpu_sc as plsc

B = 16384
EMB = 256
SRC = 256
NC = 2
NS = 16
NW = NC * NS
B_PER_W = B // NW
CH = 64
NCH = B_PER_W // CH
BM = 4096


def _sc_gather_body(table_hbm, idx_hbm, out_hbm, idx_v,
                    fb0, fb1, fb2, fb3, sg0, sg1, sg2, sg3,
                    ss0, ss1, ss2, ss3):
    wid = lax.axis_index("s") * NC + lax.axis_index("c")
    base = wid * B_PER_W
    pltpu.sync_copy(idx_hbm.at[pl.ds(base, B_PER_W)], idx_v)
    fbufs = (fb0, fb1, fb2, fb3)
    gsems = (sg0, sg1, sg2, sg3)
    ssems = (ss0, ss1, ss2, ss3)
    DEPTH = 3
    gd = [None] * NCH
    scat = [None, None, None, None]
    for c in range(min(DEPTH, NCH)):
        gd[c] = pltpu.async_copy(
            table_hbm.at[idx_v.at[pl.ds(c * CH, CH)]], fbufs[c % 4],
            gsems[c % 4])
    for c in range(NCH):
        gd[c].wait()
        nxt = c + DEPTH
        if nxt < NCH:
            nb = nxt % 4
            if scat[nb] is not None:
                scat[nb].wait()
            gd[nxt] = pltpu.async_copy(
                table_hbm.at[idx_v.at[pl.ds(nxt * CH, CH)]], fbufs[nb],
                gsems[nb])
        scat[c % 4] = pltpu.async_copy(
            fbufs[c % 4], out_hbm.at[pl.ds(base + c * CH, CH)], ssems[c % 4])
    for s in scat:
        if s is not None:
            s.wait()


_sc_gather = pl.kernel(
    _sc_gather_body,
    out_type=jax.ShapeDtypeStruct((B, EMB), jnp.float32),
    mesh=plsc.VectorSubcoreMesh(core_axis_name="c", subcore_axis_name="s"),
    compiler_params=pltpu.CompilerParams(needs_layout_passes=False),
    scratch_types=[
        pltpu.VMEM((B_PER_W,), jnp.int32),
        pltpu.VMEM((CH, EMB), jnp.float32),
        pltpu.VMEM((CH, EMB), jnp.float32),
        pltpu.VMEM((CH, EMB), jnp.float32),
        pltpu.VMEM((CH, EMB), jnp.float32),
        pltpu.SemaphoreType.DMA,
        pltpu.SemaphoreType.DMA,
        pltpu.SemaphoreType.DMA,
        pltpu.SemaphoreType.DMA,
        pltpu.SemaphoreType.DMA,
        pltpu.SemaphoreType.DMA,
        pltpu.SemaphoreType.DMA,
        pltpu.SemaphoreType.DMA,
    ],
)

_DN = (((1,), (1,)), ((), ()))


def _mm_body(x_ref, w0_ref, w1_ref, o_ref):
    x = x_ref[...]
    o_ref[:, 0, :] = lax.dot_general(x, w0_ref[...], _DN,
                                     preferred_element_type=jnp.float32)
    o_ref[:, 1, :] = lax.dot_general(x, w1_ref[...], _DN,
                                     preferred_element_type=jnp.float32)


_matmul = pl.pallas_call(
    _mm_body,
    grid=(B // BM,),
    in_specs=[
        pl.BlockSpec((BM, EMB), lambda i: (i, 0)),
        pl.BlockSpec((SRC, EMB), lambda i: (0, 0)),
        pl.BlockSpec((SRC, EMB), lambda i: (0, 0)),
    ],
    out_specs=pl.BlockSpec((BM, 2, SRC), lambda i: (i, 0, 0)),
    out_shape=jax.ShapeDtypeStruct((B, 2, SRC), jnp.float32),
)


@jax.jit
def _run(indexes, entity_table, W0, W1):
    emb = _sc_gather(entity_table, indexes)
    return _matmul(emb, W0, W1)


def kernel(indexes, entity_table, W0, W1):
    return _run(indexes, entity_table, W0, W1)

# --- scband reference (transcript-rebuilt; emitter-appended) ---
"""Pipeline reference for scband-one-to-n-24850680775093 (READ-ONLY COPY).

The authoritative reference and input builder live on the scoring server;
editing this copy changes nothing except your own understanding.
"""

import jax, jax.numpy as jnp
import numpy as np

NUM_ENTITIES = 100000
NUM_MODELS = 2
ENTITY_AGG_DIM = 128          # per-model reduced dim
ENTITY_EMB_DIM = ENTITY_AGG_DIM * NUM_MODELS  # 256, shared embedder dim
ENTITY_SOURCE_DIM = 256       # per-model source dim restored by OneToNet
BATCH = 16384


def setup_inputs(seed: int = 0) -> dict:
    key = jax.random.key(seed)
    k1, k2, k3, k4 = jax.random.split(key, 4)
    indexes = jax.random.randint(k1, (BATCH,), 0, NUM_ENTITIES, dtype=jnp.int32)
    entity_table = jax.random.normal(k2, (NUM_ENTITIES, ENTITY_EMB_DIM), dtype=jnp.float32) * 0.02
    # OneToNet per base model: Linear(reduced_dim * num_models -> source_dim, bias=False)
    W0 = jax.random.normal(k3, (ENTITY_SOURCE_DIM, ENTITY_EMB_DIM), dtype=jnp.float32) * 0.02
    W1 = jax.random.normal(k4, (ENTITY_SOURCE_DIM, ENTITY_EMB_DIM), dtype=jnp.float32) * 0.02
    return {"indexes": indexes, "entity_table": entity_table, "W0": W0, "W1": W1}


def reference(indexes, entity_table, W0, W1):
    # OneToN.aggregate(target='s', indexes): shared-embedder lookup
    emb = jnp.take(entity_table, indexes, axis=0)  # [B, emb_dim]
    # OneToNet forward per base model: net(embedder.embed(indexes))
    out0 = emb @ W0.T  # [B, source_dim]
    out1 = emb @ W1.T  # [B, source_dim]
    return jnp.stack([out0, out1], axis=1)  # [B, num_models, source_dim]

if __name__ == "__main__":
    import jax
    _d = setup_inputs()
    print(jax.jit(kernel)(*tuple(_d.values())))

</pallas_src>

<mosaic_0001>
#map = affine_map<(d0, d1) -> (0, 0)>
#map1 = affine_map<(d0, d1) -> (0)>
module attributes {stable_mosaic.version = 14 : i64} {
  func.func @_sc_gather_body(%arg0: i32, %arg1: i32, %arg2: memref<100000x256xf32, #tpu.memory_space<hbm>>, %arg3: memref<16384xi32, #tpu.memory_space<hbm>>, %arg4: memref<16384x256xf32, #tpu.memory_space<hbm>>, %arg5: memref<512xi32, #tpu.memory_space<vmem>>, %arg6: memref<64x256xf32, #tpu.memory_space<vmem>>, %arg7: memref<64x256xf32, #tpu.memory_space<vmem>>, %arg8: memref<64x256xf32, #tpu.memory_space<vmem>>, %arg9: memref<64x256xf32, #tpu.memory_space<vmem>>, %arg10: memref<!tpu.dma_semaphore, #tpu.memory_space<semaphore_mem>>, %arg11: memref<!tpu.dma_semaphore, #tpu.memory_space<semaphore_mem>>, %arg12: memref<!tpu.dma_semaphore, #tpu.memory_space<semaphore_mem>>, %arg13: memref<!tpu.dma_semaphore, #tpu.memory_space<semaphore_mem>>, %arg14: memref<!tpu.dma_semaphore, #tpu.memory_space<semaphore_mem>>, %arg15: memref<!tpu.dma_semaphore, #tpu.memory_space<semaphore_mem>>, %arg16: memref<!tpu.dma_semaphore, #tpu.memory_space<semaphore_mem>>, %arg17: memref<!tpu.dma_semaphore, #tpu.memory_space<semaphore_mem>>) attributes {dimension_semantics = [#tpu.dimension_semantics<core_parallel>, #tpu.dimension_semantics<subcore_parallel>], iteration_bounds = array<i64: 2, 16>, scalar_prefetch = 0 : i64, scratch_operands = 13 : i64, tpu.core_type = #tpu.core_type<sc_vector_subcore>, window_params = [{transform_indices = #map}, {transform_indices = #map1}, {transform_indices = #map}]} {
    %mul3A = arith.constant 2 : i32
    %mul3A_0 = arith.muli %arg1, %mul3A : i32
    %add3A = arith.addi %mul3A_0, %arg0 : i32
    %mul3A_1 = arith.constant 512 : i32
    %mul3A_2 = arith.muli %add3A, %mul3A_1 : i32
    "tpu.region"() ({
      %run_scoped3A = tpu.sem_alloc : memref<!tpu.dma_semaphore, #tpu.memory_space<semaphore_mem>>
      %dma_start3A_161 = tpu.memref_slice %arg3[%mul3A_2] : memref<16384xi32, #tpu.memory_space<hbm>> -> memref<512xi32, #tpu.memory_space<hbm>>
      %dma_start3A_162 = tpu.memref_slice %arg3[%mul3A_2] : memref<16384xi32, #tpu.memory_space<hbm>> -> memref<512xi32, #tpu.memory_space<hbm>>
      tpu.enqueue_dma source(%dma_start3A_162 : memref<512xi32, #tpu.memory_space<hbm>>) target(%arg5 : memref<512xi32, #tpu.memory_space<vmem>>) target_semaphore(%run_scoped3A : memref<!tpu.dma_semaphore, #tpu.memory_space<semaphore_mem>>)
      %dma_wait3A_163 = tpu.memref_slice %arg3[%mul3A_2] : memref<16384xi32, #tpu.memory_space<hbm>> -> memref<512xi32, #tpu.memory_space<hbm>>
      %dma_wait3A_164 = tpu.memref_slice %arg3[%mul3A_2] : memref<16384xi32, #tpu.memory_space<hbm>> -> memref<512xi32, #tpu.memory_space<hbm>>
      tpu.wait_dma2 semaphore(%run_scoped3A : memref<!tpu.dma_semaphore, #tpu.memory_space<semaphore_mem>>) src(%dma_wait3A_164 : memref<512xi32, #tpu.memory_space<hbm>>) dst(%arg5 : memref<512xi32, #tpu.memory_space<vmem>>)
      tpu.yield
    }) : () -> ()
    %dma_start3A = arith.constant 0 : i32
    %dma_start3A_3 = tpu.memref_slice %arg5[%dma_start3A] : memref<512xi32, #tpu.memory_space<vmem>> -> memref<64xi32, #tpu.memory_space<vmem>>
    %dma_start3A_4 = arith.constant 0 : i32
    %dma_start3A_5 = arith.constant 0 : i32
    %dma_start3A_6 = tpu.memref_slice %arg2[%dma_start3A_4, %dma_start3A_5] : memref<100000x256xf32, #tpu.memory_space<hbm>> -> memref<100000x256xf32, #tpu.memory_space<hbm>>
    tpu.enqueue_indirect_dma source(%dma_start3A_6 : memref<100000x256xf32, #tpu.memory_space<hbm>>) target(%arg6 : memref<64x256xf32, #tpu.memory_space<vmem>>) offsets(%dma_start3A_3 : memref<64xi32, #tpu.memory_space<vmem>>) semaphore(%arg10 : memref<!tpu.dma_semaphore, #tpu.memory_space<semaphore_mem>>)
    %dma_start3A_7 = arith.constant 64 : i32
    %dma_start3A_8 = tpu.memref_slice %arg5[%dma_start3A_7] : memref<512xi32, #tpu.memory_space<vmem>> -> memref<64xi32, #tpu.memory_space<vmem>>
    %dma_start3A_9 = arith.constant 0 : i32
    %dma_start3A_10 = arith.constant 0 : i32
    %dma_start3A_11 = tpu.memref_slice %arg2[%dma_start3A_9, %dma_start3A_10] : memref<100000x256xf32, #tpu.memory_space<hbm>> -> memref<100000x256xf32, #tpu.memory_space<hbm>>
    tpu.enqueue_indirect_dma source(%dma_start3A_11 : memref<100000x256xf32, #tpu.memory_space<hbm>>) target(%arg7 : memref<64x256xf32, #tpu.memory_space<vmem>>) offsets(%dma_start3A_8 : memref<64xi32, #tpu.memory_space<vmem>>) semaphore(%arg11 : memref<!tpu.dma_semaphore, #tpu.memory_space<semaphore_mem>>)
    %dma_start3A_12 = arith.constant 128 : i32
    %dma_start3A_13 = tpu.memref_slice %arg5[%dma_start3A_12] : memref<512xi32, #tpu.memory_space<vmem>> -> memref<64xi32, #tpu.memory_space<vmem>>
    %dma_start3A_14 = arith.constant 0 : i32
    %dma_start3A_15 = arith.constant 0 : i32
    %dma_start3A_16 = tpu.memref_slice %arg2[%dma_start3A_14, %dma_start3A_15] : memref<100000x256xf32, #tpu.memory_space<hbm>> -> memref<100000x256xf32, #tpu.memory_space<hbm>>
    tpu.enqueue_indirect_dma source(%dma_start3A_16 : memref<100000x256xf32, #tpu.memory_space<hbm>>) target(%arg8 : memref<64x256xf32, #tpu.memory_space<vmem>>) offsets(%dma_start3A_13 : memref<64xi32, #tpu.memory_space<vmem>>) semaphore(%arg12 : memref<!tpu.dma_semaphore, #tpu.memory_space<semaphore_mem>>)
    %dma_wait3A = arith.constant 0 : i32
    %dma_wait3A_17 = tpu.memref_slice %arg5[%dma_wait3A] : memref<512xi32, #tpu.memory_space<vmem>> -> memref<64xi32, #tpu.memory_space<vmem>>
    %dma_wait3A_18 = arith.constant 0 : i32
    %dma_wait3A_19 = arith.constant 0 : i32
    %dma_wait3A_20 = tpu.memref_slice %arg2[%dma_wait3A_18, %dma_wait3A_19] : memref<100000x256xf32, #tpu.memory_space<hbm>> -> memref<100000x256xf32, #tpu.memory_space<hbm>>
    tpu.wait_indirect_dma semaphore(%arg10 : memref<!tpu.dma_semaphore, #tpu.memory_space<semaphore_mem>>) src(%dma_wait3A_20 : memref<100000x256xf32, #tpu.memory_space<hbm>>) dst(%arg6 : memref<64x256xf32, #tpu.memory_space<vmem>>)
    %dma_start3A_21 = arith.constant 192 : i32
    %dma_start3A_22 = tpu.memref_slice %arg5[%dma_start3A_21] : memref<512xi32, #tpu.memory_space<vmem>> -> memref<64xi32, #tpu.memory_space<vmem>>
    %dma_start3A_23 = arith.constant 0 : i32
    %dma_start3A_24 = arith.constant 0 : i32
    %dma_start3A_25 = tpu.memref_slice %arg2[%dma_start3A_23, %dma_start3A_24] : memref<100000x256xf32, #tpu.memory_space<hbm>> -> memref<100000x256xf32, #tpu.memory_space<hbm>>
    tpu.enqueue_indirect_dma source(%dma_start3A_25 : memref<100000x256xf32, #tpu.memory_space<hbm>>) target(%arg9 : memref<64x256xf32, #tpu.memory_space<vmem>>) offsets(%dma_start3A_22 : memref<64xi32, #tpu.memory_space<vmem>>) semaphore(%arg13 : memref<!tpu.dma_semaphore, #tpu.memory_space<semaphore_mem>>)
    %add3A_26 = arith.constant 0 : i32
    %add3A_27 = arith.addi %mul3A_2, %add3A_26 : i32
    %dma_start3A_28 = arith.constant 0 : i32
    %dma_start3A_29 = tpu.memref_slice %arg4[%add3A_27, %dma_start3A_28] : memref<16384x256xf32, #tpu.memory_space<hbm>> -> memref<64x256xf32, #tpu.memory_space<hbm>>
    %dma_start3A_30 = arith.constant 0 : i32
    %dma_start3A_31 = tpu.memref_slice %arg4[%add3A_27, %dma_start3A_30] : memref<16384x256xf32, #tpu.memory_space<hbm>> -> memref<64x256xf32, #tpu.memory_space<hbm>>
    tpu.enqueue_dma source(%arg6 : memref<64x256xf32, #tpu.memory_space<vmem>>) target(%dma_start3A_31 : memref<64x256xf32, #tpu.memory_space<hbm>>) target_semaphore(%arg14 : memref<!tpu.dma_semaphore, #tpu.memory_space<semaphore_mem>>)
    %dma_wait3A_32 = arith.constant 64 : i32
    %dma_wait3A_33 = tpu.memref_slice %arg5[%dma_wait3A_32] : memref<512xi32, #tpu.memory_space<vmem>> -> memref<64xi32, #tpu.memory_space<vmem>>
    %dma_wait3A_34 = arith.constant 0 : i32
    %dma_wait3A_35 = arith.constant 0 : i32
    %dma_wait3A_36 = tpu.memref_slice %arg2[%dma_wait3A_34, %dma_wait3A_35] : memref<100000x256xf32, #tpu.memory_space<hbm>> -> memref<100000x256xf32, #tpu.memory_space<hbm>>
    tpu.wait_indirect_dma semaphore(%arg11 : memref<!tpu.dma_semaphore, #tpu.memory_space<semaphore_mem>>) src(%dma_wait3A_36 : memref<100000x256xf32, #tpu.memory_space<hbm>>) dst(%arg7 : memref<64x256xf32, #tpu.memory_space<vmem>>)
    %dma_wait3A_37 = arith.constant 0 : i32
    %dma_wait3A_38 = tpu.memref_slice %arg4[%add3A_27, %dma_wait3A_37] : memref<16384x256xf32, #tpu.memory_space<hbm>> -> memref<64x256xf32, #tpu.memory_space<hbm>>
    %dma_wait3A_39 = arith.constant 0 : i32
    %dma_wait3A_40 = tpu.memref_slice %arg4[%add3A_27, %dma_wait3A_39] : memref<16384x256xf32, #tpu.memory_space<hbm>> -> memref<64x256xf32, #tpu.memory_space<hbm>>
    tpu.wait_dma2 semaphore(%arg14 : memref<!tpu.dma_semaphore, #tpu.memory_space<semaphore_mem>>) src(%arg6 : memref<64x256xf32, #tpu.memory_space<vmem>>) dst(%dma_wait3A_40 : memref<64x256xf32, #tpu.memory_space<hbm>>)
    %dma_start3A_41 = arith.constant 256 : i32
    %dma_start3A_42 = tpu.memref_slice %arg5[%dma_start3A_41] : memref<512xi32, #tpu.memory_space<vmem>> -> memref<64xi32, #tpu.memory_space<vmem>>
    %dma_start3A_43 = arith.constant 0 : i32
    %dma_start3A_44 = arith.constant 0 : i32
    %dma_start3A_45 = tpu.memref_slice %arg2[%dma_start3A_43, %dma_start3A_44] : memref<100000x256xf32, #tpu.memory_space<hbm>> -> memref<100000x256xf32, #tpu.memory_space<hbm>>
    tpu.enqueue_indirect_dma source(%dma_start3A_45 : memref<100000x256xf32, #tpu.memory_space<hbm>>) target(%arg6 : memref<64x256xf32, #tpu.memory_space<vmem>>) offsets(%dma_start3A_42 : memref<64xi32, #tpu.memory_space<vmem>>) semaphore(%arg10 : memref<!tpu.dma_semaphore, #tpu.memory_space<semaphore_mem>>)
    %add3A_46 = arith.constant 64 : i32
    %add3A_47 = arith.addi %mul3A_2, %add3A_46 : i32
    %dma_start3A_48 = arith.constant 0 : i32
    %dma_start3A_49 = tpu.memref_slice %arg4[%add3A_47, %dma_start3A_48] : memref<16384x256xf32, #tpu.memory_space<hbm>> -> memref<64x256xf32, #tpu.memory_space<hbm>>
    %dma_start3A_50 = arith.constant 0 : i32
    %dma_start3A_51 = tpu.memref_slice %arg4[%add3A_47, %dma_start3A_50] : memref<16384x256xf32, #tpu.memory_space<hbm>> -> memref<64x256xf32, #tpu.memory_space<hbm>>
    tpu.enqueue_dma source(%arg7 : memref<64x256xf32, #tpu.memory_space<vmem>>) target(%dma_start3A_51 : memref<64x256xf32, #tpu.memory_space<hbm>>) target_semaphore(%arg15 : memref<!tpu.dma_semaphore, #tpu.memory_space<semaphore_mem>>)
    %dma_wait3A_52 = arith.constant 128 : i32
    %dma_wait3A_53 = tpu.memref_slice %arg5[%dma_wait3A_52] : memref<512xi32, #tpu.memory_space<vmem>> -> memref<64xi32, #tpu.memory_space<vmem>>
    %dma_wait3A_54 = arith.constant 0 : i32
    %dma_wait3A_55 = arith.constant 0 : i32
    %dma_wait3A_56 = tpu.memref_slice %arg2[%dma_wait3A_54, %dma_wait3A_55] : memref<100000x256xf32, #tpu.memory_space<hbm>> -> memref<100000x256xf32, #tpu.memory_space<hbm>>
    tpu.wait_indirect_dma semaphore(%arg12 : memref<!tpu.dma_semaphore, #tpu.memory_space<semaphore_mem>>) src(%dma_wait3A_56 : memref<100000x256xf32, #tpu.memory_space<hbm>>) dst(%arg8 : memref<64x256xf32, #tpu.memory_space<vmem>>)
    %dma_wait3A_57 = arith.constant 0 : i32
    %dma_wait3A_58 = tpu.memref_slice %arg4[%add3A_47, %dma_wait3A_57] : memref<16384x256xf32, #tpu.memory_space<hbm>> -> memref<64x256xf32, #tpu.memory_space<hbm>>
    %dma_wait3A_59 = arith.constant 0 : i32
    %dma_wait3A_60 = tpu.memref_slice %arg4[%add3A_47, %dma_wait3A_59] : memref<16384x256xf32, #tpu.memory_space<hbm>> -> memref<64x256xf32, #tpu.memory_space<hbm>>
    tpu.wait_dma2 semaphore(%arg15 : memref<!tpu.dma_semaphore, #tpu.memory_space<semaphore_mem>>) src(%arg7 : memref<64x256xf32, #tpu.memory_space<vmem>>) dst(%dma_wait3A_60 : memref<64x256xf32, #tpu.memory_space<hbm>>)
    %dma_start3A_61 = arith.constant 320 : i32
    %dma_start3A_62 = tpu.memref_slice %arg5[%dma_start3A_61] : memref<512xi32, #tpu.memory_space<vmem>> -> memref<64xi32, #tpu.memory_space<vmem>>
    %dma_start3A_63 = arith.constant 0 : i32
    %dma_start3A_64 = arith.constant 0 : i32
    %dma_start3A_65 = tpu.memref_slice %arg2[%dma_start3A_63, %dma_start3A_64] : memref<100000x256xf32, #tpu.memory_space<hbm>> -> memref<100000x256xf32, #tpu.memory_space<hbm>>
    tpu.enqueue_indirect_dma source(%dma_start3A_65 : memref<100000x256xf32, #tpu.memory_space<hbm>>) target(%arg7 : memref<64x256xf32, #tpu.memory_space<vmem>>) offsets(%dma_start3A_62 : memref<64xi32, #tpu.memory_space<vmem>>) semaphore(%arg11 : memref<!tpu.dma_semaphore, #tpu.memory_space<semaphore_mem>>)
    %add3A_66 = arith.constant 128 : i32
    %add3A_67 = arith.addi %mul3A_2, %add3A_66 : i32
    %dma_start3A_68 = arith.constant 0 : i32
    %dma_start3A_69 = tpu.memref_slice %arg4[%add3A_67, %dma_start3A_68] : memref<16384x256xf32, #tpu.memory_space<hbm>> -> memref<64x256xf32, #tpu.memory_space<hbm>>
    %dma_start3A_70 = arith.constant 0 : i32
    %dma_start3A_71 = tpu.memref_slice %arg4[%add3A_67, %dma_start3A_70] : memref<16384x256xf32, #tpu.memory_space<hbm>> -> memref<64x256xf32, #tpu.memory_space<hbm>>
    tpu.enqueue_dma source(%arg8 : memref<64x256xf32, #tpu.memory_space<vmem>>) target(%dma_start3A_71 : memref<64x256xf32, #tpu.memory_space<hbm>>) target_semaphore(%arg16 : memref<!tpu.dma_semaphore, #tpu.memory_space<semaphore_mem>>)
    %dma_wait3A_72 = arith.constant 192 : i32
    %dma_wait3A_73 = tpu.memref_slice %arg5[%dma_wait3A_72] : memref<512xi32, #tpu.memory_space<vmem>> -> memref<64xi32, #tpu.memory_space<vmem>>
    %dma_wait3A_74 = arith.constant 0 : i32
    %dma_wait3A_75 = arith.constant 0 : i32
    %dma_wait3A_76 = tpu.memref_slice %arg2[%dma_wait3A_74, %dma_wait3A_75] : memref<100000x256xf32, #tpu.memory_space<hbm>> -> memref<100000x256xf32, #tpu.memory_space<hbm>>
    tpu.wait_indirect_dma semaphore(%arg13 : memref<!tpu.dma_semaphore, #tpu.memory_space<semaphore_mem>>) src(%dma_wait3A_76 : memref<100000x256xf32, #tpu.memory_space<hbm>>) dst(%arg9 : memref<64x256xf32, #tpu.memory_space<vmem>>)
    %dma_wait3A_77 = arith.constant 0 : i32
    %dma_wait3A_78 = tpu.memref_slice %arg4[%add3A_67, %dma_wait3A_77] : memref<16384x256xf32, #tpu.memory_space<hbm>> -> memref<64x256xf32, #tpu.memory_space<hbm>>
    %dma_wait3A_79 = arith.constant 0 : i32
    %dma_wait3A_80 = tpu.memref_slice %arg4[%add3A_67, %dma_wait3A_79] : memref<16384x256xf32, #tpu.memory_space<hbm>> -> memref<64x256xf32, #tpu.memory_space<hbm>>
    tpu.wait_dma2 semaphore(%arg16 : memref<!tpu.dma_semaphore, #tpu.memory_space<semaphore_mem>>) src(%arg8 : memref<64x256xf32, #tpu.memory_space<vmem>>) dst(%dma_wait3A_80 : memref<64x256xf32, #tpu.memory_space<hbm>>)
    %dma_start3A_81 = arith.constant 384 : i32
    %dma_start3A_82 = tpu.memref_slice %arg5[%dma_start3A_81] : memref<512xi32, #tpu.memory_space<vmem>> -> memref<64xi32, #tpu.memory_space<vmem>>
    %dma_start3A_83 = arith.constant 0 : i32
    %dma_start3A_84 = arith.constant 0 : i32
    %dma_start3A_85 = tpu.memref_slice %arg2[%dma_start3A_83, %dma_start3A_84] : memref<100000x256xf32, #tpu.memory_space<hbm>> -> memref<100000x256xf32, #tpu.memory_space<hbm>>
    tpu.enqueue_indirect_dma source(%dma_start3A_85 : memref<100000x256xf32, #tpu.memory_space<hbm>>) target(%arg8 : memref<64x256xf32, #tpu.memory_space<vmem>>) offsets(%dma_start3A_82 : memref<64xi32, #tpu.memory_space<vmem>>) semaphore(%arg12 : memref<!tpu.dma_semaphore, #tpu.memory_space<semaphore_mem>>)
    %add3A_86 = arith.constant 192 : i32
    %add3A_87 = arith.addi %mul3A_2, %add3A_86 : i32
    %dma_start3A_88 = arith.constant 0 : i32
    %dma_start3A_89 = tpu.memref_slice %arg4[%add3A_87, %dma_start3A_88] : memref<16384x256xf32, #tpu.memory_space<hbm>> -> memref<64x256xf32, #tpu.memory_space<hbm>>
    %dma_start3A_90 = arith.constant 0 : i32
    %dma_start3A_91 = tpu.memref_slice %arg4[%add3A_87, %dma_start3A_90] : memref<16384x256xf32, #tpu.memory_space<hbm>> -> memref<64x256xf32, #tpu.memory_space<hbm>>
    tpu.enqueue_dma source(%arg9 : memref<64x256xf32, #tpu.memory_space<vmem>>) target(%dma_start3A_91 : memref<64x256xf32, #tpu.memory_space<hbm>>) target_semaphore(%arg17 : memref<!tpu.dma_semaphore, #tpu.memory_space<semaphore_mem>>)
    %dma_wait3A_92 = arith.constant 256 : i32
    %dma_wait3A_93 = tpu.memref_slice %arg5[%dma_wait3A_92] : memref<512xi32, #tpu.memory_space<vmem>> -> memref<64xi32, #tpu.memory_space<vmem>>
    %dma_wait3A_94 = arith.constant 0 : i32
    %dma_wait3A_95 = arith.constant 0 : i32
    %dma_wait3A_96 = tpu.memref_slice %arg2[%dma_wait3A_94, %dma_wait3A_95] : memref<100000x256xf32, #tpu.memory_space<hbm>> -> memref<100000x256xf32, #tpu.memory_space<hbm>>
    tpu.wait_indirect_dma semaphore(%arg10 : memref<!tpu.dma_semaphore, #tpu.memory_space<semaphore_mem>>) src(%dma_wait3A_96 : memref<100000x256xf32, #tpu.memory_space<hbm>>) dst(%arg6 : memref<64x256xf32, #tpu.memory_space<vmem>>)
    %dma_wait3A_97 = arith.constant 0 : i32
    %dma_wait3A_98 = tpu.memref_slice %arg4[%add3A_87, %dma_wait3A_97] : memref<16384x256xf32, #tpu.memory_space<hbm>> -> memref<64x256xf32, #tpu.memory_space<hbm>>
    %dma_wait3A_99 = arith.constant 0 : i32
    %dma_wait3A_100 = tpu.memref_slice %arg4[%add3A_87, %dma_wait3A_99] : memref<16384x256xf32, #tpu.memory_space<hbm>> -> memref<64x256xf32, #tpu.memory_space<hbm>>
    tpu.wait_dma2 semaphore(%arg17 : memref<!tpu.dma_semaphore, #tpu.memory_space<semaphore_mem>>) src(%arg9 : memref<64x256xf32, #tpu.memory_space<vmem>>) dst(%dma_wait3A_100 : memref<64x256xf32, #tpu.memory_space<hbm>>)
    %dma_start3A_101 = arith.constant 448 : i32
    %dma_start3A_102 = tpu.memref_slice %arg5[%dma_start3A_101] : memref<512xi32, #tpu.memory_space<vmem>> -> memref<64xi32, #tpu.memory_space<vmem>>
    %dma_start3A_103 = arith.constant 0 : i32
    %dma_start3A_104 = arith.constant 0 : i32
    %dma_start3A_105 = tpu.memref_slice %arg2[%dma_start3A_103, %dma_start3A_104] : memref<100000x256xf32, #tpu.memory_space<hbm>> -> memref<100000x256xf32, #tpu.memory_space<hbm>>
    tpu.enqueue_indirect_dma source(%dma_start3A_105 : memref<100000x256xf32, #tpu.memory_space<hbm>>) target(%arg9 : memref<64x256xf32, #tpu.memory_space<vmem>>) offsets(%dma_start3A_102 : memref<64xi32, #tpu.memory_space<vmem>>) semaphore(%arg13 : memref<!tpu.dma_semaphore, #tpu.memory_space<semaphore_mem>>)
    %add3A_106 = arith.constant 256 : i32
    %add3A_107 = arith.addi %mul3A_2, %add3A_106 : i32
    %dma_start3A_108 = arith.constant 0 : i32
    %dma_start3A_109 = tpu.memref_slice %arg4[%add3A_107, %dma_start3A_108] : memref<16384x256xf32, #tpu.memory_space<hbm>> -> memref<64x256xf32, #tpu.memory_space<hbm>>
    %dma_start3A_110 = arith.constant 0 : i32
    %dma_start3A_111 = tpu.memref_slice %arg4[%add3A_107, %dma_start3A_110] : memref<16384x256xf32, #tpu.memory_space<hbm>> -> memref<64x256xf32, #tpu.memory_space<hbm>>
    tpu.enqueue_dma source(%arg6 : memref<64x256xf32, #tpu.memory_space<vmem>>) target(%dma_start3A_111 : memref<64x256xf32, #tpu.memory_space<hbm>>) target_semaphore(%arg14 : memref<!tpu.dma_semaphore, #tpu.memory_space<semaphore_mem>>)
    %dma_wait3A_112 = arith.constant 320 : i32
    %dma_wait3A_113 = tpu.memref_slice %arg5[%dma_wait3A_112] : memref<512xi32, #tpu.memory_space<vmem>> -> memref<64xi32, #tpu.memory_space<vmem>>
    %dma_wait3A_114 = arith.constant 0 : i32
    %dma_wait3A_115 = arith.constant 0 : i32
    %dma_wait3A_116 = tpu.memref_slice %arg2[%dma_wait3A_114, %dma_wait3A_115] : memref<100000x256xf32, #tpu.memory_space<hbm>> -> memref<100000x256xf32, #tpu.memory_space<hbm>>
    tpu.wait_indirect_dma semaphore(%arg11 : memref<!tpu.dma_semaphore, #tpu.memory_space<semaphore_mem>>) src(%dma_wait3A_116 : memref<100000x256xf32, #tpu.memory_space<hbm>>) dst(%arg7 : memref<64x256xf32, #tpu.memory_space<vmem>>)
    %add3A_117 = arith.constant 320 : i32
    %add3A_118 = arith.addi %mul3A_2, %add3A_117 : i32
    %dma_start3A_119 = arith.constant 0 : i32
    %dma_start3A_120 = tpu.memref_slice %arg4[%add3A_118, %dma_start3A_119] : memref<16384x256xf32, #tpu.memory_space<hbm>> -> memref<64x256xf32, #tpu.memory_space<hbm>>
    %dma_start3A_121 = arith.constant 0 : i32
    %dma_start3A_122 = tpu.memref_slice %arg4[%add3A_118, %dma_start3A_121] : memref<16384x256xf32, #tpu.memory_space<hbm>> -> memref<64x256xf32, #tpu.memory_space<hbm>>
    tpu.enqueue_dma source(%arg7 : memref<64x256xf32, #tpu.memory_space<vmem>>) target(%dma_start3A_122 : memref<64x256xf32, #tpu.memory_space<hbm>>) target_semaphore(%arg15 : memref<!tpu.dma_semaphore, #tpu.memory_space<semaphore_mem>>)
    %dma_wait3A_123 = arith.constant 384 : i32
    %dma_wait3A_124 = tpu.memref_slice %arg5[%dma_wait3A_123] : memref<512xi32, #tpu.memory_space<vmem>> -> memref<64xi32, #tpu.memory_space<vmem>>
    %dma_wait3A_125 = arith.constant 0 : i32
    %dma_wait3A_126 = arith.constant 0 : i32
    %dma_wait3A_127 = tpu.memref_slice %arg2[%dma_wait3A_125, %dma_wait3A_126] : memref<100000x256xf32, #tpu.memory_space<hbm>> -> memref<100000x256xf32, #tpu.memory_space<hbm>>
    tpu.wait_indirect_dma semaphore(%arg12 : memref<!tpu.dma_semaphore, #tpu.memory_space<semaphore_mem>>) src(%dma_wait3A_127 : memref<100000x256xf32, #tpu.memory_space<hbm>>) dst(%arg8 : memref<64x256xf32, #tpu.memory_space<vmem>>)
    %add3A_128 = arith.constant 384 : i32
    %add3A_129 = arith.addi %mul3A_2, %add3A_128 : i32
    %dma_start3A_130 = arith.constant 0 : i32
    %dma_start3A_131 = tpu.memref_slice %arg4[%add3A_129, %dma_start3A_130] : memref<16384x256xf32, #tpu.memory_space<hbm>> -> memref<64x256xf32, #tpu.memory_space<hbm>>
    %dma_start3A_132 = arith.constant 0 : i32
    %dma_start3A_133 = tpu.memref_slice %arg4[%add3A_129, %dma_start3A_132] : memref<16384x256xf32, #tpu.memory_space<hbm>> -> memref<64x256xf32, #tpu.memory_space<hbm>>
    tpu.enqueue_dma source(%arg8 : memref<64x256xf32, #tpu.memory_space<vmem>>) target(%dma_start3A_133 : memref<64x256xf32, #tpu.memory_space<hbm>>) target_semaphore(%arg16 : memref<!tpu.dma_semaphore, #tpu.memory_space<semaphore_mem>>)
    %dma_wait3A_134 = arith.constant 448 : i32
    %dma_wait3A_135 = tpu.memref_slice %arg5[%dma_wait3A_134] : memref<512xi32, #tpu.memory_space<vmem>> -> memref<64xi32, #tpu.memory_space<vmem>>
    %dma_wait3A_136 = arith.constant 0 : i32
    %dma_wait3A_137 = arith.constant 0 : i32
    %dma_wait3A_138 = tpu.memref_slice %arg2[%dma_wait3A_136, %dma_wait3A_137] : memref<100000x256xf32, #tpu.memory_space<hbm>> -> memref<100000x256xf32, #tpu.memory_space<hbm>>
    tpu.wait_indirect_dma semaphore(%arg13 : memref<!tpu.dma_semaphore, #tpu.memory_space<semaphore_mem>>) src(%dma_wait3A_138 : memref<100000x256xf32, #tpu.memory_space<hbm>>) dst(%arg9 : memref<64x256xf32, #tpu.memory_space<vmem>>)
    %add3A_139 = arith.constant 448 : i32
    %add3A_140 = arith.addi %mul3A_2, %add3A_139 : i32
    %dma_start3A_141 = arith.constant 0 : i32
    %dma_start3A_142 = tpu.memref_slice %arg4[%add3A_140, %dma_start3A_141] : memref<16384x256xf32, #tpu.memory_space<hbm>> -> memref<64x256xf32, #tpu.memory_space<hbm>>
    %dma_start3A_143 = arith.constant 0 : i32
    %dma_start3A_144 = tpu.memref_slice %arg4[%add3A_140, %dma_start3A_143] : memref<16384x256xf32, #tpu.memory_space<hbm>> -> memref<64x256xf32, #tpu.memory_space<hbm>>
    tpu.enqueue_dma source(%arg9 : memref<64x256xf32, #tpu.memory_space<vmem>>) target(%dma_start3A_144 : memref<64x256xf32, #tpu.memory_space<hbm>>) target_semaphore(%arg17 : memref<!tpu.dma_semaphore, #tpu.memory_space<semaphore_mem>>)
    %dma_wait3A_145 = arith.constant 0 : i32
    %dma_wait3A_146 = tpu.memref_slice %arg4[%add3A_107, %dma_wait3A_145] : memref<16384x256xf32, #tpu.memory_space<hbm>> -> memref<64x256xf32, #tpu.memory_space<hbm>>
    %dma_wait3A_147 = arith.constant 0 : i32
    %dma_wait3A_148 = tpu.memref_slice %arg4[%add3A_107, %dma_wait3A_147] : memref<16384x256xf32, #tpu.memory_space<hbm>> -> memref<64x256xf32, #tpu.memory_space<hbm>>
    tpu.wait_dma2 semaphore(%arg14 : memref<!tpu.dma_semaphore, #tpu.memory_space<semaphore_mem>>) src(%arg6 : memref<64x256xf32, #tpu.memory_space<vmem>>) dst(%dma_wait3A_148 : memref<64x256xf32, #tpu.memory_space<hbm>>)
    %dma_wait3A_149 = arith.constant 0 : i32
    %dma_wait3A_150 = tpu.memref_slice %arg4[%add3A_118, %dma_wait3A_149] : memref<16384x256xf32, #tpu.memory_space<hbm>> -> memref<64x256xf32, #tpu.memory_space<hbm>>
    %dma_wait3A_151 = arith.constant 0 : i32
    %dma_wait3A_152 = tpu.memref_slice %arg4[%add3A_118, %dma_wait3A_151] : memref<16384x256xf32, #tpu.memory_space<hbm>> -> memref<64x256xf32, #tpu.memory_space<hbm>>
    tpu.wait_dma2 semaphore(%arg15 : memref<!tpu.dma_semaphore, #tpu.memory_space<semaphore_mem>>) src(%arg7 : memref<64x256xf32, #tpu.memory_space<vmem>>) dst(%dma_wait3A_152 : memref<64x256xf32, #tpu.memory_space<hbm>>)
    %dma_wait3A_153 = arith.constant 0 : i32
    %dma_wait3A_154 = tpu.memref_slice %arg4[%add3A_129, %dma_wait3A_153] : memref<16384x256xf32, #tpu.memory_space<hbm>> -> memref<64x256xf32, #tpu.memory_space<hbm>>
    %dma_wait3A_155 = arith.constant 0 : i32
    %dma_wait3A_156 = tpu.memref_slice %arg4[%add3A_129, %dma_wait3A_155] : memref<16384x256xf32, #tpu.memory_space<hbm>> -> memref<64x256xf32, #tpu.memory_space<hbm>>
    tpu.wait_dma2 semaphore(%arg16 : memref<!tpu.dma_semaphore, #tpu.memory_space<semaphore_mem>>) src(%arg8 : memref<64x256xf32, #tpu.memory_space<vmem>>) dst(%dma_wait3A_156 : memref<64x256xf32, #tpu.memory_space<hbm>>)
    %dma_wait3A_157 = arith.constant 0 : i32
    %dma_wait3A_158 = tpu.memref_slice %arg4[%add3A_140, %dma_wait3A_157] : memref<16384x256xf32, #tpu.memory_space<hbm>> -> memref<64x256xf32, #tpu.memory_space<hbm>>
    %dma_wait3A_159 = arith.constant 0 : i32
    %dma_wait3A_160 = tpu.memref_slice %arg4[%add3A_140, %dma_wait3A_159] : memref<16384x256xf32, #tpu.memory_space<hbm>> -> memref<64x256xf32, #tpu.memory_space<hbm>>
    tpu.wait_dma2 semaphore(%arg17 : memref<!tpu.dma_semaphore, #tpu.memory_space<semaphore_mem>>) src(%arg9 : memref<64x256xf32, #tpu.memory_space<vmem>>) dst(%dma_wait3A_160 : memref<64x256xf32, #tpu.memory_space<hbm>>)
    return
  }
}

module attributes {stable_mosaic.version = 14 : i64} {
  func.func @_mm_body(%arg0: i32, %arg1: memref<4096x256xf32, #tpu.memory_space<vmem>>, %arg2: memref<256x256xf32, #tpu.memory_space<vmem>>, %arg3: memref<256x256xf32, #tpu.memory_space<vmem>>, %arg4: memref<4096x2x256xf32, #tpu.memory_space<vmem>>) attributes {dimension_semantics = [#tpu.dimension_semantics<arbitrary>], iteration_bounds = array<i64: 4>, scalar_prefetch = 0 : i64, scratch_operands = 0 : i64, tpu.core_type = #tpu.core_type<tc>, window_params = [{transform_indices = @transform_0, window_bounds = array<i64: 4096, 256>}, {pipeline_mode = #tpu.pipeline_mode<synchronous>, transform_indices = @transform_1, window_bounds = array<i64: 256, 256>}, {pipeline_mode = #tpu.pipeline_mode<synchronous>, transform_indices = @transform_2, window_bounds = array<i64: 256, 256>}, {transform_indices = @transform_3, window_bounds = array<i64: 4096, 2, 256>}]} {
    %get3A = arith.constant 0 : index
    %get3A_0 = arith.constant 0 : index
    %get3A_1 = vector.load %arg1[%get3A, %get3A_0] : memref<4096x256xf32, #tpu.memory_space<vmem>>, vector<4096x256xf32>
    %get3A_2 = arith.constant 0 : index
    %get3A_3 = arith.constant 0 : index
    %get3A_4 = vector.load %arg2[%get3A_2, %get3A_3] : memref<256x256xf32, #tpu.memory_space<vmem>>, vector<256x256xf32>
    %dot_general3A = arith.constant dense<0.000000e+00> : vector<4096x256xf32>
    %dot_general3A_5 = tpu.matmul %get3A_1, %get3A_4, %dot_general3A {dimension_numbers = #tpu.dot_dimension_numbers<[1], [1], [0], [0], [0, 0, 1, 0], [], []>, transpose_lhs_hint = false} : vector<4096x256xf32>, vector<256x256xf32>, vector<4096x256xf32> -> vector<4096x256xf32>
    %swap3A = arith.constant 0 : index
    %swap3A_6 = arith.constant 0 : index
    %swap3A_7 = arith.constant 0 : index
    %swap3A_8 = vector.load %arg4[%swap3A, %swap3A_6, %swap3A_7] : memref<4096x2x256xf32, #tpu.memory_space<vmem>>, vector<4096x1x256xf32>
    %swap3A_9 = vector.shape_cast %swap3A_8 : vector<4096x1x256xf32> to vector<4096x256xf32>
    %swap3A_10 = vector.shape_cast %dot_general3A_5 : vector<4096x256xf32> to vector<4096x1x256xf32>
    tpu.vector_store %arg4[%swap3A, %swap3A_6, %swap3A_7], %swap3A_10 {strides = array<i32>} : memref<4096x2x256xf32, #tpu.memory_space<vmem>>, vector<4096x1x256xf32>,
    %get3A_11 = arith.constant 0 : index
    %get3A_12 = arith.constant 0 : index
    %get3A_13 = vector.load %arg3[%get3A_11, %get3A_12] : memref<256x256xf32, #tpu.memory_space<vmem>>, vector<256x256xf32>
    %dot_general3A_14 = arith.constant dense<0.000000e+00> : vector<4096x256xf32>
    %dot_general3A_15 = tpu.matmul %get3A_1, %get3A_13, %dot_general3A_14 {dimension_numbers = #tpu.dot_dimension_numbers<[1], [1], [0], [0], [0, 0, 1, 0], [], []>, transpose_lhs_hint = false} : vector<4096x256xf32>, vector<256x256xf32>, vector<4096x256xf32> -> vector<4096x256xf32>
    %swap3A_16 = arith.constant 0 : index
    %swap3A_17 = arith.constant 1 : index
    %swap3A_18 = arith.constant 0 : index
    %swap3A_19 = vector.load %arg4[%swap3A_16, %swap3A_17, %swap3A_18] : memref<4096x2x256xf32, #tpu.memory_space<vmem>>, vector<4096x1x256xf32>
    %swap3A_20 = vector.shape_cast %swap3A_19 : vector<4096x1x256xf32> to vector<4096x256xf32>
    %swap3A_21 = vector.shape_cast %dot_general3A_15 : vector<4096x256xf32> to vector<4096x1x256xf32>
    tpu.vector_store %arg4[%swap3A_16, %swap3A_17, %swap3A_18], %swap3A_21 {strides = array<i32>} : memref<4096x2x256xf32, #tpu.memory_space<vmem>>, vector<4096x1x256xf32>,
    return
  }
  func.func @transform_0(%arg0: i32) -> (i32, i32) {
    %c0_i32 = arith.constant 0 : i32
    %c0_i32_0 = arith.constant 0 : i32
    return %arg0, %c0_i32 : i32, i32
  }
  func.func @transform_1(%arg0: i32) -> (i32, i32) {
    %c0_i32 = arith.constant 0 : i32
    %c0_i32_0 = arith.constant 0 : i32
    %c0_i32_1 = arith.constant 0 : i32
    return %c0_i32, %c0_i32_0 : i32, i32
  }
  func.func @transform_2(%arg0: i32) -> (i32, i32) {
    %c0_i32 = arith.constant 0 : i32
    %c0_i32_0 = arith.constant 0 : i32
    %c0_i32_1 = arith.constant 0 : i32
    return %c0_i32, %c0_i32_0 : i32, i32
  }
  func.func @transform_3(%arg0: i32) -> (i32, i32, i32) {
    %c0_i32 = arith.constant 0 : i32
    %c0_i32_0 = arith.constant 0 : i32
    %c0_i32_1 = arith.constant 0 : i32
    return %arg0, %c0_i32, %c0_i32_0 : i32, i32, i32
  }
}

</mosaic_0001>

<sc_bundles>
// kernel: _run.4.cloned.1.call-start
scs
__scs_entry_jumppad:
0x0: {  	(pc) =	sbr.rel $0x88, $3  }
0x1: {  	(tag) =	ssettag $0x0;
	lr =	simm.s32 $0x1  }
0x2: {  	[smem:$0x3F9D] =	sst lr;
	_ =	strace $0xD0000000  }
0x3: {  	_ = 	snop  }
0x4: {  	_ = 	snop  }
0x5: {  	_ = 	snop  }
0x6: {  	_ = 	snop  }
0x7: {  	_ = 	snop  }
__scs_overlays_trampoline_lowered:
0x8: {  	[smem:$0x3FAC] =	sst s0  }
0x9: {  	[smem:$0x3FAD] =	sst s1  }
0xa: {  	[smem:$0x3FAE] =	sst s2  }
0xb: {  	[smem:$0x3FAF] =	sst s3  }
0xc: {  	[smem:$0x3FB0] =	sst s4  }
0xd: {  	[smem:$0x3FB1] =	sst s5  }
0xe: {  	[smem:$0x3FB2] =	sst s6  }
0xf: {  	[smem:$0x3FB3] =	sst s7  }
0x10: {  	[smem:$0x3FB4] =	sst s8  }
0x11: {  	[smem:$0x3FB5] =	sst s9;
	s0 =	simm.s32 @!p0 $0x0  }
0x12: {  	s1 =	sld [smem:$0x3F9B];
	s0 =	simm.s32 @p0 $0x1  }
0x13: {  	[smem:$0x3FB6] =	sst s0;
	s0 =	simm.s32 @!p1 $0x0  }
0x14: {  	s2 =	sld [smem:$0x3F9A];
	s0 =	simm.s32 @p1 $0x1  }
0x15: {  	[smem:$0x3FB7] =	sst s0;
	s0 =	simm.s32 @!p2 $0x0  }
0x16: {  	s3 =	sld [smem:$0x3FDB];
	s0 =	simm.s32 @p2 $0x1  }
0x17: {  	s4 =	simm.s32 $0x1BF5;
	[smem:$0x3FB9] =	sst s0  }
0x18: {  	s0 =	sld [smem:$0x3F9C];
	_ =	swait.ge [sflag:s4], $0x0  }
0x19: {  	s7 =	sld [smem:$0x3F9D]  }
0x1a: {  	s8 =	sadd.s32 $0xFFFFE003, lr  }
0x1b: {  	s9 =	sadd.s32 $0xFFFFFEF7, lr;
	s5 =	simm.s32 $0xFFFFFFFF;
	p2 =	slt.u32 s8, $0xFFFFF086  }
0x1c: {  	p1 =	slt.u32 s9, $0xF7A;
	s5 =	simm.s32 @!p2 $0x0  }
0x1d: {  	s5 =	simm.s32 @p1 $0x1;
	p0 =	seq.s32 s7, s2  }
0x1e: {  	s7 =	smul.u32 @!p0 $0xF7A, s2;
	p2 =	seq.s32 @!p0 s5, $0x0  }
0x1f: {  	s9 =	smul.u32 $0xF7A, s1;
	s8 =	simm.s32 @!p0 $0x1BF5;
	p2 =	por !p2, p0  }
0x20: {  	[sflag:s8] =	ssyncset.s32 @!p0 $0xFFFFF086;
	s6 =	sadd.s32 @!p0 s3, s7;
	s7 =	simm.s32 @!p0 $0x108  }
0x21: {  	s3 =	sadd.s32 s3, s9;
	s6 =	sadd.s32 @!p0 $0x88, s6;
	s7 =	simm.s32 @p2 $0x1082  }
0x22: {  	[simem:s7], [sflag:s8] =	dma.local @!p0 [hbm:s6], $0xF7A  }
0x23: {  	s9 =	sor.u32 $0xD0000000, s2;
	s6 =	simm.s32 $0x108;
	_ =	swait.ge @!p0 [sflag:s8], $0x0  }
0x24: {  	s3 =	sadd.s32 $0x88, s3;
	s6 =	simm.s32 @!p1 $0x1082;
	[sflag:s4] =	ssyncset.s32 $0xFFFFF086  }
0x25: {  	[simem:s6], [sflag:s4] =	dma.local [hbm:s3], $0xF7A  }
0x26: {  	[smem:$0x3F9D] =	sst s1;
	(tag) =	ssettag s2;
	_ =	strace s9  }
0x27: {  	s1 =	sld [smem:$0x3FAD]  }
0x28: {  	s2 =	sld [smem:$0x3FAE]  }
0x29: {  	s4 =	sld [smem:$0x3FB0]  }
0x2a: {  	p0 =	seq.s32 s5, $0x0;
	s5 =	sld [smem:$0x3FB1]  }
0x2b: {  	s6 =	sld [smem:$0x3FB2]  }
0x2c: {  	s7 =	sld [smem:$0x3FB3]  }
0x2d: {  	s3 =	simm.s32 $0x108;
	s8 =	sld [smem:$0x3FB4]  }
0x2e: {  	s3 =	simm.s32 @!p0 $0x1082;
	s9 =	sld [smem:$0x3FB5]  }
0x2f: {  	lr =	sadd.s32 s0, s3;
	s0 =	sld [smem:$0x3FAC]  }
0x30: {  	s3 =	sld [smem:$0x3FAF]  }
0x31: {  	[smem:$0x3FB8] =	sst s10  }
0x32: {  	s10 =	sld [smem:$0x3FB6];
	_ =	sdelay $0x3  }
0x33: {  	p0 =	seq.s32 s10, $0x1;
	s10 =	sld [smem:$0x3FB8];
	_ =	sdelay $0x3  }
0x34: {  	[smem:$0x3FB8] =	sst s10  }
0x35: {  	s10 =	sld [smem:$0x3FB7];
	_ =	sdelay $0x3  }
0x36: {  	p1 =	seq.s32 s10, $0x1;
	s10 =	sld [smem:$0x3FB8];
	_ =	sdelay $0x3  }
0x37: {  	[smem:$0x3FB8] =	sst s10  }
0x38: {  	s10 =	sld [smem:$0x3FB9]  }
0x39: {  	_ = 	snop;
	(pc) =	sbr.ind lr, $3  }
0x3a: {  	_ = 	snop  }
0x3b: {  	_ = 	snop  }
0x3c: {  	p2 =	seq.s32 s10, $0x1;
	s10 =	sld [smem:$0x3FB8]  }
0x3d: {  	_ =	shalt  }
0x3e: {  	_ =	shalt  }
0x3f: {  	_ =	shalt  }
0x40: {  	_ =	shalt  }
0x41: {  	_ =	shalt  }
0x42: {  	_ =	shalt  }
0x43: {  	_ =	shalt  }
0x44: {  	_ =	shalt  }
0x45: {  	_ =	shalt  }
0x46: {  	_ =	shalt  }
0x47: {  	_ =	shalt  }
0x48: {  	_ =	shalt  }
0x49: {  	_ =	shalt  }
0x4a: {  	_ =	shalt  }
0x4b: {  	_ =	shalt  }
0x4c: {  	_ =	shalt  }
0x4d: {  	_ =	shalt  }
0x4e: {  	_ =	shalt  }
0x4f: {  	_ =	shalt  }
0x50: {  	_ =	shalt  }
0x51: {  	_ =	shalt  }
0x52: {  	_ =	shalt  }
0x53: {  	_ =	shalt  }
0x54: {  	_ =	shalt  }
0x55: {  	_ =	shalt  }
0x56: {  	_ =	shalt  }
0x57: {  	_ =	shalt  }
0x58: {  	_ =	shalt  }
0x59: {  	_ =	shalt  }
0x5a: {  	_ =	shalt  }
0x5b: {  	_ =	shalt  }
0x5c: {  	_ =	shalt  }
0x5d: {  	_ =	shalt  }
0x5e: {  	_ =	shalt  }
0x5f: {  	_ =	shalt  }
0x60: {  	_ =	shalt  }
0x61: {  	_ =	shalt  }
0x62: {  	_ =	shalt  }
0x63: {  	_ =	shalt  }
0x64: {  	_ =	shalt  }
0x65: {  	_ =	shalt  }
0x66: {  	_ =	shalt  }
0x67: {  	_ =	shalt  }
0x68: {  	_ =	shalt  }
0x69: {  	_ =	shalt  }
0x6a: {  	_ =	shalt  }
0x6b: {  	_ =	shalt  }
0x6c: {  	_ =	shalt  }
0x6d: {  	_ =	shalt  }
0x6e: {  	_ =	shalt  }
0x6f: {  	_ =	shalt  }
0x70: {  	_ =	shalt  }
0x71: {  	_ =	shalt  }
0x72: {  	_ =	shalt  }
0x73: {  	_ =	shalt  }
0x74: {  	_ =	shalt  }
0x75: {  	_ =	shalt  }
0x76: {  	_ =	shalt  }
0x77: {  	_ =	shalt  }
0x78: {  	_ =	shalt  }
0x79: {  	_ =	shalt  }
0x7a: {  	_ =	shalt  }
0x7b: {  	_ =	shalt  }
0x7c: {  	_ =	shalt  }
0x7d: {  	_ =	shalt  }
0x7e: {  	_ =	shalt  }
0x7f: {  	_ =	shalt  }
0x80: {  	_ =	shalt  }
0x81: {  	_ =	shalt  }
0x82: {  	_ =	shalt  }
0x83: {  	_ =	shalt  }
0x84: {  	_ =	shalt  }
0x85: {  	_ =	shalt  }
0x86: {  	_ =	shalt  }
0x87: {  	_ =	shalt  }
.Lfunc_end0:
.L_simem_size_0:
called_computation_lowered:
.L_overlay_start_0:
0x88: {  	s2 =	sld [smem:$0x3FD9]  }
0x89: {  	s3 =	sld [smem:$0x3FFE];
	_ =	sdelay $0x1  }
0x8a: {  	s1 =	srdreg.scid  }
0x8b: {  	s0 =	sand.u32 $0x1, s1  }
0x8c: {  	s18 =	sshll.u32 s0, $0xA;
	s2 =	sadd.s32 s3, s2  }
0x8d: {  	s2 =	sadd.s32 s2, s18  }
0x8e: {  	[smem:$0x3FC4] =	sst s2  }
0x8f: {  	_ = 	snop  }
0x90: {  	s2 =	sld [smem:$0x3FC9]  }
0x91: {  	s19 =	sld [smem:$0x3FC8]  }
0x92: {  	s4 =	sld [smem:$0x3FD0];
	(tm) =	ssettm $0x1  }
0x93: {  	s5 =	sld [smem:$0x3FFB];
	_ =	sdelay $0x3  }
0x94: {  	_ =	strace s5  }
0x95: {  	s5 =	sld [smem:$0x3FFC];
	_ =	sdelay $0x3  }
0x96: {  	_ =	strace s5  }
0x97: {  	s5 =	sld [smem:$0x3FFD];
	_ =	sdelay $0x3  }
0x98: {  	_ =	strace s5  }
0x99: {  	_ =	strace $0x8FFFFFFF  }
0x9a: {  	s20 =	sld [smem:$0x3FDB];
	_ =	sdelay $0x1  }
0x9b: {  	s6 =	simm.s32 $_scs_section_size  }
0x9c: {  	s7 =	simm.s32 $_size__tile_overlayer_lowered;
	s8 =	simm.s32 $_tile_overlayer_lowered  }
0x9d: {  	s23 =	simm.s32 $0x1BFF;
	s22 =	sshll.u32 s8, $0x1;
	s5 =	sadd.s32 s6, s20  }
0x9e: {  	s9 =	simm.s32 $0x0;
	s21 =	sshll.u32 s7, $0x1;
	s7 =	sadd.s32 s22, s5  }
0x9f: {  	[timem:s9], [sflag:s23] =	dma.local [hbm:s7], s21  }
0xa0: {  	_ =	swait.ge [sflag:s23], s21  }
0xa1: {  	s6 =	ssub.s32 $0x0, s21;
	[sflag:s23] =	ssyncset.done $0x0  }
0xa2: {  	[sflag:s23] =	ssyncadd.s32 s6;
	_ =	sdelay $0x1  }
0xa3: {  	s24 =	simm.s32 $0x1B8B  }
0xa4: {  	_ =	swait.ge [sflag:s24], $0x1  }
0xa5: {  	[sflag:s24] =	ssyncset.done $0x0  }
0xa6: {  	s25 =	simm.s32 $0x1B8E;
	[sflag:s24] =	ssyncadd.s32 $0xFFFFFFFF  }
0xa7: {  	s26 =	simm.s32 $execute0_lowered;
	[smem:$0x3FD2] =	sst s25  }
0xa8: {  	s6 =	sshll.u32 s26, $0x1;
	_ =	strace $0x80000046;
	[dreg:$0x1] =	wrdreg $0xFFFFFFFF  }
0xa9: {  	s28 =	simm.s32 $_size_execute0_lowered;
	s5 =	sadd.s32 s5, s6;
	[dreg:$0x0] =	wrdreg $0x0  }
0xaa: {  	s6 =	sshll.u32 s28, $0x1;
	[dreg:$0x2] =	wrdreg s5  }
0xab: {  	[dreg:$0x3] =	wrdreg s6  }
0xac: {  	[dreg:$0x4] =	wrdreg $0xC0  }
0xad: {  	_ =	task [dreg:s9], $0x5FFFF  }
0xae: {  	[dreg:$0x1] =	wrdreg $0xFFFFFFFF  }
0xaf: {  	[dreg:$0x0] =	wrdreg $0x60  }
0xb0: {  	[dreg:$0x2] =	wrdreg s19  }
0xb1: {  	[dreg:$0x3] =	wrdreg s2  }
0xb2: {  	[dreg:$0x4] =	wrdreg s4  }
0xb3: {  	[dreg:$0x5] =	wrdreg $0x9  }
0xb4: {  	_ =	task.clear_ibuf [dreg:s9], $0x6FFFF;
	_ =	strace $0x90000046  }
0xb5: {  	s29 =	simm.s32 $0x9;
	_ =	strace $0x80000048  }
0xb6: {  	_ =	swait.ge [sflag:s29], $0x1  }
0xb7: {  	[sflag:s29] =	ssyncadd.s32 $0xFFFFFFFF  }
0xb8: {  	_ =	strace $0x90000048  }
0xb9: {  	_ =	sfence  }
0xba: {  	s30 =	sld [smem:$0x0];
	_ =	sdelay $0x2  }
0xbb: {  	s31 =	sshll.u32 s1, $0xD;
	s1 =	sshrl.u32 s1, $0x2  }
0xbc: {  	s3 =	sand.u32 $0x4000, s31;
	s1 =	sadd.s32 s1, s30  }
0xbd: {  	s0 =	sor.u32 s3, s0;
	s1 =	sshll.u32 s1, $0x11  }
0xbe: {  	s0 =	sor.u32 s1, s0  }
0xbf: {  	s0 =	sadd.s32 $0x8F2B, s0  }
0xc0: {  	[sflag:s0] =	ssyncadd.remote.s32 $0x1  }
0xc1: {  	_ =	sfence.sel $0xFFFF  }
0xc2: {  	[dreg:$0x0] =	wrdreg $0xFFFFFFFF;
	(pc) =	sbr.abs _section_cstart, $3  }
0xc3: {  	[dreg:$0x1] =	wrdreg $0xFFFFFFFF  }
0xc4: {  	_ =	task.clear_ibuf [dreg:s9], $0x2FFFF;
	_ =	strace $0x9FFFFFFF  }
0xc5: {  	(tm) =	ssettm $0x7FFFFFFF  }
tec
execute0_lowered:
.L_overlay_start_1:
0x0: {  	(tag) =	ssettag $0x1  }
0x1: {  	s1 =	rddreg [dreg:$0x0]  }
0x2: {  	s0 =	srdreg.scid;
	s2 =	rddreg [dreg:$0x1]  }
0x3: {  	s3 =	stileid.u32;
	s4 =	rddreg [dreg:$0x2];
	s15 =	simm.s32 $0x6  }
0x4: {  	s28 =	simm.s32 $0x2200;
	s29 =	simm.s32 $0x2A00;
	s30 =	simm.s32 $0x3200  }
0x5: {  	s31 =	simm.s32 $0x3A00;
	s8 =	simm.s32 $0x4A00;
	s0 =	sand.u32 $0x1, s0  }
0x6: {  	s9 =	simm.s32 $0x5200;
	s5 =	sshll.u32 s3, $0xA;
	s6 =	sshll.u32 s0, $0x9  }
0x7: {  	s10 =	simm.s32 $0x5A00;
	s11 =	simm.s32 $0x6200;
	s5 =	sor.u32 s6, s5  }
0x8: {  	s12 =	simm.s32 $0x6A00;
	s3 =	simm.s32 $0x0;
	s6 =	sshrl.u32 s5, $0x3  }
0x9: {  	[smem:$0x7FF] =	sst s3;
	s5 =	sshll.u32 s5, $0x5;
	s2 =	sadd.s32 s2, s6  }
0xa: {  	_ =	strace $0x80000047;
	s4 =	sadd.s32 s4, s5;
	[dreg:$0x4] =	wrdreg s2  }
0xb: {  	s13 =	simm.s32 $0x7200;
	s19 =	sadd.s32 $0x800, s4;
	[dreg:$0xc] =	wrdreg s4  }
0xc: {  	s14 =	simm.s32 $0x7A00;
	s20 =	sadd.s32 $0x1000, s4;
	[dreg:$0x5] =	wrdreg s19  }
0xd: {  	s16 =	simm.s32 $0xAA00;
	s21 =	sadd.s32 $0x1800, s4;
	[dreg:$0x6] =	wrdreg s20  }
0xe: {  	s17 =	simm.s32 $0xB200;
	s22 =	sadd.s32 $0x2000, s4;
	[dreg:$0x7] =	wrdreg s21  }
0xf: {  	s0 =	ssub.s32 $0x2, s0;
	s23 =	sadd.s32 $0x2800, s4;
	[dreg:$0x8] =	wrdreg s22  }
0x10: {  	s25 =	sshrl.u32 s0, $0x1;
	s24 =	sadd.s32 $0x3000, s4;
	[dreg:$0x9] =	wrdreg s23  }
0x11: {  	s0 =	ssub.s32 s0, s25;
	s26 =	sadd.s32 $0x3800, s4;
	[dreg:$0xa] =	wrdreg s24  }
0x12: {  	v2 =	vlaneseq.u32;
	s18 =	simm.s32 $0x1;
	s5 =	smax.u32 s0, $0x1;
	[dreg:$0xb] =	wrdreg s26  }
0x13: {  	vm0 =	vmmov $0xffff;
	v1 =	vshrl.u32 v2, $0x3;
	s20 =	simm.s32 $0x4;
	s21 =	simm.s32 $0x7;
	s22 =	simm.s32 $0x8  }
0x14: {  	v0 =	vand.u32 $0x7, v2;
	v2 =	vor.u32 $0x8, v2;
	v1 =	vmul.u32 $0x8, v1;
	s26 =	simm.s32 $0x1A00;
	s23 =	simm.s32 $0x4200;
	s19 =	simm.s32 $0xC200  }
.LBB2_1:
0x15: {  	s24 =	rddreg [dreg:$0x4];
	s4 =	simm.s32 $0x9  }
0x16: {  	[tilespmem:s3], [sflag:$0x9] =	stream.linear.gather [hbm4b:s24+s3], $0x200, $0x38;
	[tilespmem:$0x10200] =	vst v63  }
0x17: {  	_ =	swait.ge [sflag:s4], $0x200  }
0x18: {  	[sflag:s4] =	ssyncset.done $0x0  }
0x19: {  	[sflag:s4] =	ssyncadd.s32 $0xFFFFFE00  }
0x1a: {  	v3 =	vld [tilespmem:$0x0];
	_ =	sdelay $0x4  }
0x1b: {  	v4 =	vshll.u32 v3, $0x1  }
0x1c: {  	v3 =	vand.u32 $0x7, v3;
	v4 =	vand.u32 $0xFFFFFFF0, v4  }
0x1d: {  	v3 =	vor.u32 v3, v4  }
0x1e: {  	v4 =	vperm.xlane v3, v0;
	_ =	sdelay $0x1  }
0x1f: {  	v3 =	vperm.xlane v3, v2;
	v4 =	vadd.s32 v1, v4;
	_ =	sdelay $0x1  }
0x20: {  	v3 =	vadd.s32 v1, v3;
	_ =	sdelay $0x1  }
0x21: {  	s0 =	simm.s32 $0x200  }
0x22: {  	[tilespmem:s0], [sflag:$0x1] =	stream.indirect_vreg.gather [hbm4b:s1+s3], $0x80, v4, vm0, $0xb8;
	[tilespmem:$0x10200] =	vst v63  }
0x23: {  	s24 =	simm.s32 $0xA00  }
0x24: {  	[tilespmem:s24], [sflag:$0x1] =	stream.indirect_vreg.gather [hbm4b:s1+s3], $0x80, v3, vm0, $0xb8;
	[tilespmem:$0x10200] =	vst v63  }
0x25: {  	v3 =	vld [tilespmem:$0x10];
	_ =	sdelay $0x4  }
0x26: {  	v33 =	vshll.u32 v3, $0x1  }
0x27: {  	v3 =	vand.u32 $0x7, v3;
	v4 =	vand.u32 $0xFFFFFFF0, v33  }
0x28: {  	v3 =	vor.u32 v3, v4  }
0x29: {  	v4 =	vperm.xlane v3, v0;
	_ =	sdelay $0x1  }
0x2a: {  	v3 =	vperm.xlane v3, v2;
	v4 =	vadd.s32 v1, v4;
	_ =	sdelay $0x1  }
0x2b: {  	v3 =	vadd.s32 v1, v3;
	_ =	sdelay $0x1  }
0x2c: {  	s25 =	simm.s32 $0x1200  }
0x2d: {  	[tilespmem:s25], [sflag:$0x1] =	stream.indirect_vreg.gather [hbm4b:s1+s3], $0x80, v4, vm0, $0xb8;
	[tilespmem:$0x10200] =	vst v63  }
0x2e: {  	_ = 	snop  }
0x2f: {  	[tilespmem:s26], [sflag:$0x1] =	stream.indirect_vreg.gather [hbm4b:s1+s3], $0x80, v3, vm0, $0xb8;
	[tilespmem:$0x10200] =	vst v63  }
0x30: {  	v3 =	vld [tilespmem:$0x20];
	_ =	sdelay $0x4  }
0x31: {  	v34 =	vshll.u32 v3, $0x1  }
0x32: {  	v3 =	vand.u32 $0x7, v3;
	v4 =	vand.u32 $0xFFFFFFF0, v34  }
0x33: {  	v3 =	vor.u32 v3, v4  }
0x34: {  	v4 =	vperm.xlane v3, v0;
	_ =	sdelay $0x1  }
0x35: {  	v3 =	vperm.xlane v3, v2;
	v4 =	vadd.s32 v1, v4;
	_ =	sdelay $0x1  }
0x36: {  	v3 =	vadd.s32 v1, v3;
	_ =	sdelay $0x2  }
0x37: {  	[tilespmem:s28], [sflag:$0x1] =	stream.indirect_vreg.gather [hbm4b:s1+s3], $0x80, v4, vm0, $0xb8;
	[tilespmem:$0x10200] =	vst v63  }
0x38: {  	_ = 	snop  }
0x39: {  	[tilespmem:s29], [sflag:$0x1] =	stream.indirect_vreg.gather [hbm4b:s1+s3], $0x80, v3, vm0, $0xb8;
	[tilespmem:$0x10200] =	vst v63  }
0x3a: {  	v3 =	vld [tilespmem:$0x30];
	_ =	sdelay $0x4  }
0x3b: {  	v35 =	vshll.u32 v3, $0x1  }
0x3c: {  	v3 =	vand.u32 $0x7, v3;
	v4 =	vand.u32 $0xFFFFFFF0, v35  }
0x3d: {  	v3 =	vor.u32 v3, v4  }
0x3e: {  	v4 =	vperm.xlane v3, v0;
	_ =	sdelay $0x1  }
0x3f: {  	v3 =	vperm.xlane v3, v2;
	v4 =	vadd.s32 v1, v4;
	_ =	sdelay $0x1  }
0x40: {  	v3 =	vadd.s32 v1, v3;
	_ =	sdelay $0x2  }
0x41: {  	[tilespmem:s30], [sflag:$0x1] =	stream.indirect_vreg.gather [hbm4b:s1+s3], $0x80, v4, vm0, $0xb8;
	[tilespmem:$0x10200] =	vst v63  }
0x42: {  	_ = 	snop  }
0x43: {  	[tilespmem:s31], [sflag:$0x1] =	stream.indirect_vreg.gather [hbm4b:s1+s3], $0x80, v3, vm0, $0xb8;
	[tilespmem:$0x10200] =	vst v63  }
0x44: {  	v3 =	vld [tilespmem:$0x40];
	_ =	sdelay $0x4  }
0x45: {  	v36 =	vshll.u32 v3, $0x1  }
0x46: {  	v3 =	vand.u32 $0x7, v3;
	v4 =	vand.u32 $0xFFFFFFF0, v36  }
0x47: {  	v3 =	vor.u32 v3, v4  }
0x48: {  	v4 =	vperm.xlane v3, v0;
	_ =	sdelay $0x1  }
0x49: {  	v3 =	vperm.xlane v3, v2;
	v4 =	vadd.s32 v1, v4;
	_ =	sdelay $0x1  }
0x4a: {  	v3 =	vadd.s32 v1, v3;
	_ =	sdelay $0x2  }
0x4b: {  	[tilespmem:s23], [sflag:$0x2] =	stream.indirect_vreg.gather [hbm4b:s1+s3], $0x80, v4, vm0, $0xb8;
	[tilespmem:$0x10200] =	vst v63  }
0x4c: {  	_ = 	snop  }
0x4d: {  	[tilespmem:s8], [sflag:$0x2] =	stream.indirect_vreg.gather [hbm4b:s1+s3], $0x80, v3, vm0, $0xb8;
	[tilespmem:$0x10200] =	vst v63  }
0x4e: {  	v3 =	vld [tilespmem:$0x50];
	_ =	sdelay $0x4  }
0x4f: {  	v37 =	vshll.u32 v3, $0x1  }
0x50: {  	v3 =	vand.u32 $0x7, v3;
	v4 =	vand.u32 $0xFFFFFFF0, v37  }
0x51: {  	v3 =	vor.u32 v3, v4  }
0x52: {  	v4 =	vperm.xlane v3, v0;
	_ =	sdelay $0x1  }
0x53: {  	v3 =	vperm.xlane v3, v2;
	v4 =	vadd.s32 v1, v4;
	_ =	sdelay $0x1  }
0x54: {  	v3 =	vadd.s32 v1, v3;
	_ =	sdelay $0x2  }
0x55: {  	[tilespmem:s9], [sflag:$0x2] =	stream.indirect_vreg.gather [hbm4b:s1+s3], $0x80, v4, vm0, $0xb8;
	[tilespmem:$0x10200] =	vst v63  }
0x56: {  	_ = 	snop  }
0x57: {  	[tilespmem:s10], [sflag:$0x2] =	stream.indirect_vreg.gather [hbm4b:s1+s3], $0x80, v3, vm0, $0xb8;
	[tilespmem:$0x10200] =	vst v63  }
0x58: {  	v3 =	vld [tilespmem:$0x60];
	_ =	sdelay $0x4  }
0x59: {  	v38 =	vshll.u32 v3, $0x1  }
0x5a: {  	v3 =	vand.u32 $0x7, v3;
	v4 =	vand.u32 $0xFFFFFFF0, v38  }
0x5b: {  	v3 =	vor.u32 v3, v4  }
0x5c: {  	v4 =	vperm.xlane v3, v0;
	_ =	sdelay $0x1  }
0x5d: {  	v3 =	vperm.xlane v3, v2;
	v4 =	vadd.s32 v1, v4;
	_ =	sdelay $0x1  }
0x5e: {  	v3 =	vadd.s32 v1, v3;
	_ =	sdelay $0x2  }
0x5f: {  	[tilespmem:s11], [sflag:$0x2] =	stream.indirect_vreg.gather [hbm4b:s1+s3], $0x80, v4, vm0, $0xb8;
	[tilespmem:$0x10200] =	vst v63  }
0x60: {  	_ = 	snop  }
0x61: {  	[tilespmem:s12], [sflag:$0x2] =	stream.indirect_vreg.gather [hbm4b:s1+s3], $0x80, v3, vm0, $0xb8;
	[tilespmem:$0x10200] =	vst v63  }
0x62: {  	v3 =	vld [tilespmem:$0x70];
	_ =	sdelay $0x4  }
0x63: {  	v39 =	vshll.u32 v3, $0x1  }
0x64: {  	v3 =	vand.u32 $0x7, v3;
	v4 =	vand.u32 $0xFFFFFFF0, v39  }
0x65: {  	v3 =	vor.u32 v3, v4  }
0x66: {  	v4 =	vperm.xlane v3, v0;
	_ =	sdelay $0x1  }
0x67: {  	v3 =	vperm.xlane v3, v2;
	v4 =	vadd.s32 v1, v4;
	_ =	sdelay $0x1  }
0x68: {  	v3 =	vadd.s32 v1, v3;
	_ =	sdelay $0x2  }
0x69: {  	[tilespmem:s13], [sflag:$0x2] =	stream.indirect_vreg.gather [hbm4b:s1+s3], $0x80, v4, vm0, $0xb8;
	[tilespmem:$0x10200] =	vst v63  }
0x6a: {  	_ = 	snop  }
0x6b: {  	[tilespmem:s14], [sflag:$0x2] =	stream.indirect_vreg.gather [hbm4b:s1+s3], $0x80, v3, vm0, $0xb8;
	[tilespmem:$0x10200] =	vst v63  }
0x6c: {  	v3 =	vld [tilespmem:$0x80];
	_ =	sdelay $0x4  }
0x6d: {  	v40 =	vshll.u32 v3, $0x1  }
0x6e: {  	v3 =	vand.u32 $0x7, v3;
	v4 =	vand.u32 $0xFFFFFFF0, v40  }
0x6f: {  	v3 =	vor.u32 v3, v4  }
0x70: {  	v4 =	vperm.xlane v3, v0;
	_ =	sdelay $0x1  }
0x71: {  	v3 =	vperm.xlane v3, v2;
	v4 =	vadd.s32 v1, v4;
	_ =	sdelay $0x1  }
0x72: {  	v3 =	vadd.s32 v1, v3;
	_ =	sdelay $0x1  }
0x73: {  	s0 =	simm.s32 $0x8200  }
0x74: {  	[tilespmem:s0], [sflag:$0x3] =	stream.indirect_vreg.gather [hbm4b:s1+s3], $0x80, v4, vm0, $0xb8;
	[tilespmem:$0x10200] =	vst v63  }
0x75: {  	s4 =	simm.s32 $0x8A00  }
0x76: {  	[tilespmem:s4], [sflag:$0x3] =	stream.indirect_vreg.gather [hbm4b:s1+s3], $0x80, v3, vm0, $0xb8;
	[tilespmem:$0x10200] =	vst v63  }
0x77: {  	v3 =	vld [tilespmem:$0x90];
	_ =	sdelay $0x4  }
0x78: {  	v41 =	vshll.u32 v3, $0x1  }
0x79: {  	v3 =	vand.u32 $0x7, v3;
	v4 =	vand.u32 $0xFFFFFFF0, v41  }
0x7a: {  	v3 =	vor.u32 v3, v4  }
0x7b: {  	v4 =	vperm.xlane v3, v0;
	_ =	sdelay $0x1  }
0x7c: {  	v3 =	vperm.xlane v3, v2;
	v4 =	vadd.s32 v1, v4;
	_ =	sdelay $0x1  }
0x7d: {  	v3 =	vadd.s32 v1, v3;
	_ =	sdelay $0x1  }
0x7e: {  	s2 =	simm.s32 $0x9200  }
0x7f: {  	[tilespmem:s2], [sflag:$0x3] =	stream.indirect_vreg.gather [hbm4b:s1+s3], $0x80, v4, vm0, $0xb8;
	[tilespmem:$0x10200] =	vst v63  }
0x80: {  	s6 =	simm.s32 $0x9A00  }
0x81: {  	[tilespmem:s6], [sflag:$0x3] =	stream.indirect_vreg.gather [hbm4b:s1+s3], $0x80, v3, vm0, $0xb8;
	[tilespmem:$0x10200] =	vst v63  }
0x82: {  	v3 =	vld [tilespmem:$0xA0];
	_ =	sdelay $0x4  }
0x83: {  	v42 =	vshll.u32 v3, $0x1  }
0x84: {  	v3 =	vand.u32 $0x7, v3;
	v4 =	vand.u32 $0xFFFFFFF0, v42  }
0x85: {  	v3 =	vor.u32 v3, v4  }
0x86: {  	v4 =	vperm.xlane v3, v0;
	_ =	sdelay $0x1  }
0x87: {  	v3 =	vperm.xlane v3, v2;
	v4 =	vadd.s32 v1, v4;
	_ =	sdelay $0x1  }
0x88: {  	v3 =	vadd.s32 v1, v3;
	_ =	sdelay $0x1  }
0x89: {  	s7 =	simm.s32 $0xA200  }
0x8a: {  	[tilespmem:s7], [sflag:$0x3] =	stream.indirect_vreg.gather [hbm4b:s1+s3], $0x80, v4, vm0, $0xb8;
	[tilespmem:$0x10200] =	vst v63  }
0x8b: {  	_ = 	snop  }
0x8c: {  	[tilespmem:s16], [sflag:$0x3] =	stream.indirect_vreg.gather [hbm4b:s1+s3], $0x80, v3, vm0, $0xb8;
	[tilespmem:$0x10200] =	vst v63  }
0x8d: {  	v3 =	vld [tilespmem:$0xB0];
	_ =	sdelay $0x4  }
0x8e: {  	v43 =	vshll.u32 v3, $0x1  }
0x8f: {  	v3 =	vand.u32 $0x7, v3;
	v4 =	vand.u32 $0xFFFFFFF0, v43  }
0x90: {  	v3 =	vor.u32 v3, v4  }
0x91: {  	v4 =	vperm.xlane v3, v0;
	_ =	sdelay $0x1  }
0x92: {  	v3 =	vperm.xlane v3, v2;
	v4 =	vadd.s32 v1, v4;
	_ =	sdelay $0x1  }
0x93: {  	v3 =	vadd.s32 v1, v3;
	_ =	sdelay $0x2  }
0x94: {  	[tilespmem:s17], [sflag:$0x3] =	stream.indirect_vreg.gather [hbm4b:s1+s3], $0x80, v4, vm0, $0xb8;
	[tilespmem:$0x10200] =	vst v63  }
0x95: {  	s6 =	simm.s32 $0xBA00  }
0x96: {  	[tilespmem:s6], [sflag:$0x3] =	stream.indirect_vreg.gather [hbm4b:s1+s3], $0x80, v3, vm0, $0xb8;
	[tilespmem:$0x10200] =	vst v63  }
0x97: {  	_ =	swait.ge [sflag:s18], $0x4000  }
0x98: {  	[sflag:s18] =	ssyncset.done $0x0  }
0x99: {  	[sflag:s18] =	ssyncadd.s32 $0xFFFFC000  }
0x9a: {  	v3 =	vld [tilespmem:$0xC0];
	_ =	sdelay $0x4  }
0x9b: {  	v44 =	vshll.u32 v3, $0x1  }
0x9c: {  	v3 =	vand.u32 $0x7, v3;
	v4 =	vand.u32 $0xFFFFFFF0, v44  }
0x9d: {  	v3 =	vor.u32 v3, v4  }
0x9e: {  	v4 =	vperm.xlane v3, v0;
	_ =	sdelay $0x1  }
0x9f: {  	v3 =	vperm.xlane v3, v2;
	v4 =	vadd.s32 v1, v4;
	_ =	sdelay $0x1  }
0xa0: {  	v3 =	vadd.s32 v1, v3;
	_ =	sdelay $0x2  }
0xa1: {  	[tilespmem:s19], [sflag:$0x4] =	stream.indirect_vreg.gather [hbm4b:s1+s3], $0x80, v4, vm0, $0xb8;
	[tilespmem:$0x10200] =	vst v63  }
0xa2: {  	s7 =	simm.s32 $0xCA00  }
0xa3: {  	[tilespmem:s7], [sflag:$0x4] =	stream.indirect_vreg.gather [hbm4b:s1+s3], $0x80, v3, vm0, $0xb8;
	[tilespmem:$0x10200] =	vst v63  }
0xa4: {  	v3 =	vld [tilespmem:$0xD0];
	_ =	sdelay $0x4  }
0xa5: {  	v45 =	vshll.u32 v3, $0x1  }
0xa6: {  	v3 =	vand.u32 $0x7, v3;
	v4 =	vand.u32 $0xFFFFFFF0, v45  }
0xa7: {  	v3 =	vor.u32 v3, v4  }
0xa8: {  	v4 =	vperm.xlane v3, v0;
	_ =	sdelay $0x1  }
0xa9: {  	v3 =	vperm.xlane v3, v2;
	v4 =	vadd.s32 v1, v4;
	_ =	sdelay $0x1  }
0xaa: {  	v3 =	vadd.s32 v1, v3;
	_ =	sdelay $0x1  }
0xab: {  	s6 =	simm.s32 $0xD200  }
0xac: {  	[tilespmem:s6], [sflag:$0x4] =	stream.indirect_vreg.gather [hbm4b:s1+s3], $0x80, v4, vm0, $0xb8;
	[tilespmem:$0x10200] =	vst v63  }
0xad: {  	s7 =	simm.s32 $0xDA00  }
0xae: {  	[tilespmem:s7], [sflag:$0x4] =	stream.indirect_vreg.gather [hbm4b:s1+s3], $0x80, v3, vm0, $0xb8;
	[tilespmem:$0x10200] =	vst v63  }
0xaf: {  	v3 =	vld [tilespmem:$0xE0];
	_ =	sdelay $0x4  }
0xb0: {  	v46 =	vshll.u32 v3, $0x1  }
0xb1: {  	v3 =	vand.u32 $0x7, v3;
	v4 =	vand.u32 $0xFFFFFFF0, v46  }
0xb2: {  	v3 =	vor.u32 v3, v4  }
0xb3: {  	v4 =	vperm.xlane v3, v0;
	_ =	sdelay $0x1  }
0xb4: {  	v3 =	vperm.xlane v3, v2;
	v4 =	vadd.s32 v1, v4;
	_ =	sdelay $0x1  }
0xb5: {  	v3 =	vadd.s32 v1, v3;
	_ =	sdelay $0x1  }
0xb6: {  	s6 =	simm.s32 $0xE200  }
0xb7: {  	[tilespmem:s6], [sflag:$0x4] =	stream.indirect_vreg.gather [hbm4b:s1+s3], $0x80, v4, vm0, $0xb8;
	[tilespmem:$0x10200] =	vst v63  }
0xb8: {  	s7 =	simm.s32 $0xEA00  }
0xb9: {  	[tilespmem:s7], [sflag:$0x4] =	stream.indirect_vreg.gather [hbm4b:s1+s3], $0x80, v3, vm0, $0xb8;
	[tilespmem:$0x10200] =	vst v63  }
0xba: {  	v3 =	vld [tilespmem:$0xF0];
	_ =	sdelay $0x4  }
0xbb: {  	v47 =	vshll.u32 v3, $0x1  }
0xbc: {  	v3 =	vand.u32 $0x7, v3;
	v4 =	vand.u32 $0xFFFFFFF0, v47  }
0xbd: {  	v3 =	vor.u32 v3, v4  }
0xbe: {  	v4 =	vperm.xlane v3, v0;
	_ =	sdelay $0x1  }
0xbf: {  	v3 =	vperm.xlane v3, v2;
	v4 =	vadd.s32 v1, v4;
	_ =	sdelay $0x1  }
0xc0: {  	v3 =	vadd.s32 v1, v3;
	_ =	sdelay $0x1  }
0xc1: {  	s6 =	simm.s32 $0xF200  }
0xc2: {  	[tilespmem:s6], [sflag:$0x4] =	stream.indirect_vreg.gather [hbm4b:s1+s3], $0x80, v4, vm0, $0xb8;
	[tilespmem:$0x10200] =	vst v63  }
0xc3: {  	s7 =	simm.s32 $0xFA00  }
0xc4: {  	[tilespmem:s7], [sflag:$0x4] =	stream.indirect_vreg.gather [hbm4b:s1+s3], $0x80, v3, vm0, $0xb8;
	[tilespmem:$0x10200] =	vst v63  }
0xc5: {  	s6 =	rddreg [dreg:$0xc];
	s7 =	simm.s32 $0x200  }
0xc6: {  	[hbm4b:s6+s3] =	stream.linear.scatter [tilespmem:s7], [sflag:$0x5], $0x4000, $0x38;
	[tilespmem:$0x10200] =	vst v63  }
0xc7: {  	s6 =	simm.s32 $0x2  }
0xc8: {  	_ =	swait.ge [sflag:s6], $0x4000  }
0xc9: {  	[sflag:s6] =	ssyncset.done $0x0  }
0xca: {  	s2 =	simm.s32 $0x5;
	[sflag:s6] =	ssyncadd.s32 $0xFFFFC000  }
0xcb: {  	_ =	swait.ge [sflag:s2], $0x4000  }
0xcc: {  	[sflag:s2] =	ssyncset.done $0x0  }
0xcd: {  	[sflag:s2] =	ssyncadd.s32 $0xFFFFC000  }
0xce: {  	v3 =	vld [tilespmem:$0x100];
	_ =	sdelay $0x4  }
0xcf: {  	v48 =	vshll.u32 v3, $0x1  }
0xd0: {  	v3 =	vand.u32 $0x7, v3;
	v4 =	vand.u32 $0xFFFFFFF0, v48  }
0xd1: {  	v3 =	vor.u32 v3, v4  }
0xd2: {  	v4 =	vperm.xlane v3, v0;
	_ =	sdelay $0x1  }
0xd3: {  	v3 =	vperm.xlane v3, v2;
	v4 =	vadd.s32 v1, v4;
	_ =	sdelay $0x1  }
0xd4: {  	v3 =	vadd.s32 v1, v3;
	_ =	sdelay $0x2  }
0xd5: {  	[tilespmem:s7], [sflag:$0x1] =	stream.indirect_vreg.gather [hbm4b:s1+s3], $0x80, v4, vm0, $0xb8;
	[tilespmem:$0x10200] =	vst v63  }
0xd6: {  	_ = 	snop  }
0xd7: {  	[tilespmem:s24], [sflag:$0x1] =	stream.indirect_vreg.gather [hbm4b:s1+s3], $0x80, v3, vm0, $0xb8;
	[tilespmem:$0x10200] =	vst v63  }
0xd8: {  	v3 =	vld [tilespmem:$0x110];
	_ =	sdelay $0x4  }
0xd9: {  	v49 =	vshll.u32 v3, $0x1  }
0xda: {  	v3 =	vand.u32 $0x7, v3;
	v4 =	vand.u32 $0xFFFFFFF0, v49  }
0xdb: {  	v3 =	vor.u32 v3, v4  }
0xdc: {  	v4 =	vperm.xlane v3, v0;
	_ =	sdelay $0x1  }
0xdd: {  	v3 =	vperm.xlane v3, v2;
	v4 =	vadd.s32 v1, v4;
	_ =	sdelay $0x1  }
0xde: {  	v3 =	vadd.s32 v1, v3;
	_ =	sdelay $0x2  }
0xdf: {  	[tilespmem:s25], [sflag:$0x1] =	stream.indirect_vreg.gather [hbm4b:s1+s3], $0x80, v4, vm0, $0xb8;
	[tilespmem:$0x10200] =	vst v63  }
0xe0: {  	_ = 	snop  }
0xe1: {  	[tilespmem:s26], [sflag:$0x1] =	stream.indirect_vreg.gather [hbm4b:s1+s3], $0x80, v3, vm0, $0xb8;
	[tilespmem:$0x10200] =	vst v63  }
0xe2: {  	v3 =	vld [tilespmem:$0x120];
	_ =	sdelay $0x4  }
0xe3: {  	v50 =	vshll.u32 v3, $0x1  }
0xe4: {  	v3 =	vand.u32 $0x7, v3;
	v4 =	vand.u32 $0xFFFFFFF0, v50  }
0xe5: {  	v3 =	vor.u32 v3, v4  }
0xe6: {  	v4 =	vperm.xlane v3, v0;
	_ =	sdelay $0x1  }
0xe7: {  	v3 =	vperm.xlane v3, v2;
	v4 =	vadd.s32 v1, v4;
	_ =	sdelay $0x1  }
0xe8: {  	v3 =	vadd.s32 v1, v3;
	_ =	sdelay $0x2  }
0xe9: {  	[tilespmem:s28], [sflag:$0x1] =	stream.indirect_vreg.gather [hbm4b:s1+s3], $0x80, v4, vm0, $0xb8;
	[tilespmem:$0x10200] =	vst v63  }
0xea: {  	_ = 	snop  }
0xeb: {  	[tilespmem:s29], [sflag:$0x1] =	stream.indirect_vreg.gather [hbm4b:s1+s3], $0x80, v3, vm0, $0xb8;
	[tilespmem:$0x10200] =	vst v63  }
0xec: {  	v3 =	vld [tilespmem:$0x130];
	_ =	sdelay $0x4  }
0xed: {  	v51 =	vshll.u32 v3, $0x1  }
0xee: {  	v3 =	vand.u32 $0x7, v3;
	v4 =	vand.u32 $0xFFFFFFF0, v51  }
0xef: {  	v3 =	vor.u32 v3, v4  }
0xf0: {  	v4 =	vperm.xlane v3, v0;
	_ =	sdelay $0x1  }
0xf1: {  	v3 =	vperm.xlane v3, v2;
	v4 =	vadd.s32 v1, v4;
	_ =	sdelay $0x1  }
0xf2: {  	v3 =	vadd.s32 v1, v3;
	_ =	sdelay $0x2  }
0xf3: {  	[tilespmem:s30], [sflag:$0x1] =	stream.indirect_vreg.gather [hbm4b:s1+s3], $0x80, v4, vm0, $0xb8;
	[tilespmem:$0x10200] =	vst v63  }
0xf4: {  	_ = 	snop  }
0xf5: {  	[tilespmem:s31], [sflag:$0x1] =	stream.indirect_vreg.gather [hbm4b:s1+s3], $0x80, v3, vm0, $0xb8;
	[tilespmem:$0x10200] =	vst v63  }
0xf6: {  	s25 =	rddreg [dreg:$0x5]  }
0xf7: {  	[hbm4b:s25+s3] =	stream.linear.scatter [tilespmem:s23], [sflag:$0x6], $0x4000, $0x38;
	[tilespmem:$0x10200] =	vst v63  }
0xf8: {  	s25 =	simm.s32 $0x3  }
0xf9: {  	_ =	swait.ge [sflag:s25], $0x4000  }
0xfa: {  	[sflag:s25] =	ssyncset.done $0x0  }
0xfb: {  	[sflag:s25] =	ssyncadd.s32 $0xFFFFC000  }
0xfc: {  	_ =	swait.ge [sflag:s15], $0x4000  }
0xfd: {  	[sflag:s15] =	ssyncset.done $0x0  }
0xfe: {  	[sflag:s15] =	ssyncadd.s32 $0xFFFFC000  }
0xff: {  	v3 =	vld [tilespmem:$0x140];
	_ =	sdelay $0x4  }
0x100: {  	v52 =	vshll.u32 v3, $0x1  }
0x101: {  	v3 =	vand.u32 $0x7, v3;
	v4 =	vand.u32 $0xFFFFFFF0, v52  }
0x102: {  	v3 =	vor.u32 v3, v4  }
0x103: {  	v4 =	vperm.xlane v3, v0;
	_ =	sdelay $0x1  }
0x104: {  	v3 =	vperm.xlane v3, v2;
	v4 =	vadd.s32 v1, v4;
	_ =	sdelay $0x1  }
0x105: {  	v3 =	vadd.s32 v1, v3;
	_ =	sdelay $0x2  }
0x106: {  	[tilespmem:s23], [sflag:$0x2] =	stream.indirect_vreg.gather [hbm4b:s1+s3], $0x80, v4, vm0, $0xb8;
	[tilespmem:$0x10200] =	vst v63  }
0x107: {  	_ = 	snop  }
0x108: {  	[tilespmem:s8], [sflag:$0x2] =	stream.indirect_vreg.gather [hbm4b:s1+s3], $0x80, v3, vm0, $0xb8;
	[tilespmem:$0x10200] =	vst v63  }
0x109: {  	v3 =	vld [tilespmem:$0x150];
	_ =	sdelay $0x4  }
0x10a: {  	v53 =	vshll.u32 v3, $0x1  }
0x10b: {  	v3 =	vand.u32 $0x7, v3;
	v4 =	vand.u32 $0xFFFFFFF0, v53  }
0x10c: {  	v3 =	vor.u32 v3, v4  }
0x10d: {  	v4 =	vperm.xlane v3, v0;
	_ =	sdelay $0x1  }
0x10e: {  	v3 =	vperm.xlane v3, v2;
	v4 =	vadd.s32 v1, v4;
	_ =	sdelay $0x1  }
0x10f: {  	v3 =	vadd.s32 v1, v3;
	_ =	sdelay $0x2  }
0x110: {  	[tilespmem:s9], [sflag:$0x2] =	stream.indirect_vreg.gather [hbm4b:s1+s3], $0x80, v4, vm0, $0xb8;
	[tilespmem:$0x10200] =	vst v63  }
0x111: {  	_ = 	snop  }
0x112: {  	[tilespmem:s10], [sflag:$0x2] =	stream.indirect_vreg.gather [hbm4b:s1+s3], $0x80, v3, vm0, $0xb8;
	[tilespmem:$0x10200] =	vst v63  }
0x113: {  	v3 =	vld [tilespmem:$0x160];
	_ =	sdelay $0x4  }
0x114: {  	v54 =	vshll.u32 v3, $0x1  }
0x115: {  	v3 =	vand.u32 $0x7, v3;
	v4 =	vand.u32 $0xFFFFFFF0, v54  }
0x116: {  	v3 =	vor.u32 v3, v4  }
0x117: {  	v4 =	vperm.xlane v3, v0;
	_ =	sdelay $0x1  }
0x118: {  	v3 =	vperm.xlane v3, v2;
	v4 =	vadd.s32 v1, v4;
	_ =	sdelay $0x1  }
0x119: {  	v3 =	vadd.s32 v1, v3;
	_ =	sdelay $0x2  }
0x11a: {  	[tilespmem:s11], [sflag:$0x2] =	stream.indirect_vreg.gather [hbm4b:s1+s3], $0x80, v4, vm0, $0xb8;
	[tilespmem:$0x10200] =	vst v63  }
0x11b: {  	_ = 	snop  }
0x11c: {  	[tilespmem:s12], [sflag:$0x2] =	stream.indirect_vreg.gather [hbm4b:s1+s3], $0x80, v3, vm0, $0xb8;
	[tilespmem:$0x10200] =	vst v63  }
0x11d: {  	v3 =	vld [tilespmem:$0x170];
	_ =	sdelay $0x4  }
0x11e: {  	v55 =	vshll.u32 v3, $0x1  }
0x11f: {  	v3 =	vand.u32 $0x7, v3;
	v4 =	vand.u32 $0xFFFFFFF0, v55  }
0x120: {  	v3 =	vor.u32 v3, v4  }
0x121: {  	v4 =	vperm.xlane v3, v0;
	_ =	sdelay $0x1  }
0x122: {  	v3 =	vperm.xlane v3, v2;
	v4 =	vadd.s32 v1, v4;
	_ =	sdelay $0x1  }
0x123: {  	v3 =	vadd.s32 v1, v3;
	_ =	sdelay $0x2  }
0x124: {  	[tilespmem:s13], [sflag:$0x2] =	stream.indirect_vreg.gather [hbm4b:s1+s3], $0x80, v4, vm0, $0xb8;
	[tilespmem:$0x10200] =	vst v63  }
0x125: {  	_ = 	snop  }
0x126: {  	[tilespmem:s14], [sflag:$0x2] =	stream.indirect_vreg.gather [hbm4b:s1+s3], $0x80, v3, vm0, $0xb8;
	[tilespmem:$0x10200] =	vst v63  }
0x127: {  	s24 =	rddreg [dreg:$0x6]  }
0x128: {  	[hbm4b:s24+s3] =	stream.linear.scatter [tilespmem:s0], [sflag:$0x7], $0x4000, $0x38;
	[tilespmem:$0x10200] =	vst v63  }
0x129: {  	_ =	swait.ge [sflag:s20], $0x4000  }
0x12a: {  	[sflag:s20] =	ssyncset.done $0x0  }
0x12b: {  	[sflag:s20] =	ssyncadd.s32 $0xFFFFC000  }
0x12c: {  	_ =	swait.ge [sflag:s21], $0x4000  }
0x12d: {  	[sflag:s21] =	ssyncset.done $0x0  }
0x12e: {  	[sflag:s21] =	ssyncadd.s32 $0xFFFFC000  }
0x12f: {  	v3 =	vld [tilespmem:$0x180];
	_ =	sdelay $0x4  }
0x130: {  	v56 =	vshll.u32 v3, $0x1  }
0x131: {  	v3 =	vand.u32 $0x7, v3;
	v4 =	vand.u32 $0xFFFFFFF0, v56  }
0x132: {  	v3 =	vor.u32 v3, v4  }
0x133: {  	v4 =	vperm.xlane v3, v0;
	_ =	sdelay $0x1  }
0x134: {  	v3 =	vperm.xlane v3, v2;
	v4 =	vadd.s32 v1, v4;
	_ =	sdelay $0x1  }
0x135: {  	v3 =	vadd.s32 v1, v3;
	_ =	sdelay $0x2  }
0x136: {  	[tilespmem:s0], [sflag:$0x3] =	stream.indirect_vreg.gather [hbm4b:s1+s3], $0x80, v4, vm0, $0xb8;
	[tilespmem:$0x10200] =	vst v63  }
0x137: {  	_ = 	snop  }
0x138: {  	[tilespmem:s4], [sflag:$0x3] =	stream.indirect_vreg.gather [hbm4b:s1+s3], $0x80, v3, vm0, $0xb8;
	[tilespmem:$0x10200] =	vst v63  }
0x139: {  	v3 =	vld [tilespmem:$0x190];
	_ =	sdelay $0x4  }
0x13a: {  	v57 =	vshll.u32 v3, $0x1  }
0x13b: {  	v3 =	vand.u32 $0x7, v3;
	v4 =	vand.u32 $0xFFFFFFF0, v57  }
0x13c: {  	v3 =	vor.u32 v3, v4  }
0x13d: {  	v4 =	vperm.xlane v3, v0;
	_ =	sdelay $0x1  }
0x13e: {  	v3 =	vperm.xlane v3, v2;
	v4 =	vadd.s32 v1, v4;
	_ =	sdelay $0x1  }
0x13f: {  	v3 =	vadd.s32 v1, v3;
	_ =	sdelay $0x1  }
0x140: {  	s24 =	simm.s32 $0x9200  }
0x141: {  	[tilespmem:s24], [sflag:$0x3] =	stream.indirect_vreg.gather [hbm4b:s1+s3], $0x80, v4, vm0, $0xb8;
	[tilespmem:$0x10200] =	vst v63  }
0x142: {  	s24 =	simm.s32 $0x9A00  }
0x143: {  	[tilespmem:s24], [sflag:$0x3] =	stream.indirect_vreg.gather [hbm4b:s1+s3], $0x80, v3, vm0, $0xb8;
	[tilespmem:$0x10200] =	vst v63  }
0x144: {  	v3 =	vld [tilespmem:$0x1A0];
	_ =	sdelay $0x4  }
0x145: {  	v58 =	vshll.u32 v3, $0x1  }
0x146: {  	v3 =	vand.u32 $0x7, v3;
	v4 =	vand.u32 $0xFFFFFFF0, v58  }
0x147: {  	v3 =	vor.u32 v3, v4  }
0x148: {  	v4 =	vperm.xlane v3, v0;
	_ =	sdelay $0x1  }
0x149: {  	v3 =	vperm.xlane v3, v2;
	v4 =	vadd.s32 v1, v4;
	_ =	sdelay $0x1  }
0x14a: {  	v3 =	vadd.s32 v1, v3;
	_ =	sdelay $0x1  }
0x14b: {  	s24 =	simm.s32 $0xA200  }
0x14c: {  	[tilespmem:s24], [sflag:$0x3] =	stream.indirect_vreg.gather [hbm4b:s1+s3], $0x80, v4, vm0, $0xb8;
	[tilespmem:$0x10200] =	vst v63  }
0x14d: {  	_ = 	snop  }
0x14e: {  	[tilespmem:s16], [sflag:$0x3] =	stream.indirect_vreg.gather [hbm4b:s1+s3], $0x80, v3, vm0, $0xb8;
	[tilespmem:$0x10200] =	vst v63  }
0x14f: {  	v3 =	vld [tilespmem:$0x1B0];
	_ =	sdelay $0x4  }
0x150: {  	v59 =	vshll.u32 v3, $0x1  }
0x151: {  	v3 =	vand.u32 $0x7, v3;
	v4 =	vand.u32 $0xFFFFFFF0, v59  }
0x152: {  	v3 =	vor.u32 v3, v4  }
0x153: {  	v4 =	vperm.xlane v3, v0;
	_ =	sdelay $0x1  }
0x154: {  	v3 =	vperm.xlane v3, v2;
	v4 =	vadd.s32 v1, v4;
	_ =	sdelay $0x1  }
0x155: {  	v3 =	vadd.s32 v1, v3;
	_ =	sdelay $0x2  }
0x156: {  	[tilespmem:s17], [sflag:$0x3] =	stream.indirect_vreg.gather [hbm4b:s1+s3], $0x80, v4, vm0, $0xb8;
	[tilespmem:$0x10200] =	vst v63  }
0x157: {  	s4 =	simm.s32 $0xBA00  }
0x158: {  	[tilespmem:s4], [sflag:$0x3] =	stream.indirect_vreg.gather [hbm4b:s1+s3], $0x80, v3, vm0, $0xb8;
	[tilespmem:$0x10200] =	vst v63  }
0x159: {  	s24 =	rddreg [dreg:$0x7]  }
0x15a: {  	[hbm4b:s24+s3] =	stream.linear.scatter [tilespmem:s19], [sflag:$0x8], $0x4000, $0x38;
	[tilespmem:$0x10200] =	vst v63  }
0x15b: {  	_ =	swait.ge [sflag:s18], $0x4000  }
0x15c: {  	[sflag:s18] =	ssyncset.done $0x0  }
0x15d: {  	[sflag:s18] =	ssyncadd.s32 $0xFFFFC000  }
0x15e: {  	_ =	swait.ge [sflag:s22], $0x4000  }
0x15f: {  	[sflag:s22] =	ssyncset.done $0x0  }
0x160: {  	[sflag:s22] =	ssyncadd.s32 $0xFFFFC000  }
0x161: {  	v3 =	vld [tilespmem:$0x1C0];
	_ =	sdelay $0x4  }
0x162: {  	v60 =	vshll.u32 v3, $0x1  }
0x163: {  	v3 =	vand.u32 $0x7, v3;
	v4 =	vand.u32 $0xFFFFFFF0, v60  }
0x164: {  	v3 =	vor.u32 v3, v4  }
0x165: {  	v4 =	vperm.xlane v3, v0;
	_ =	sdelay $0x1  }
0x166: {  	v3 =	vperm.xlane v3, v2;
	v4 =	vadd.s32 v1, v4;
	_ =	sdelay $0x1  }
0x167: {  	v3 =	vadd.s32 v1, v3;
	_ =	sdelay $0x2  }
0x168: {  	[tilespmem:s19], [sflag:$0x4] =	stream.indirect_vreg.gather [hbm4b:s1+s3], $0x80, v4, vm0, $0xb8;
	[tilespmem:$0x10200] =	vst v63  }
0x169: {  	s24 =	simm.s32 $0xCA00  }
0x16a: {  	[tilespmem:s24], [sflag:$0x4] =	stream.indirect_vreg.gather [hbm4b:s1+s3], $0x80, v3, vm0, $0xb8;
	[tilespmem:$0x10200] =	vst v63  }
0x16b: {  	v3 =	vld [tilespmem:$0x1D0];
	_ =	sdelay $0x4  }
0x16c: {  	v61 =	vshll.u32 v3, $0x1  }
0x16d: {  	v3 =	vand.u32 $0x7, v3;
	v4 =	vand.u32 $0xFFFFFFF0, v61  }
0x16e: {  	v3 =	vor.u32 v3, v4  }
0x16f: {  	v4 =	vperm.xlane v3, v0;
	_ =	sdelay $0x1  }
0x170: {  	v3 =	vperm.xlane v3, v2;
	v4 =	vadd.s32 v1, v4;
	_ =	sdelay $0x1  }
0x171: {  	v3 =	vadd.s32 v1, v3;
	_ =	sdelay $0x1  }
0x172: {  	s24 =	simm.s32 $0xD200  }
0x173: {  	[tilespmem:s24], [sflag:$0x4] =	stream.indirect_vreg.gather [hbm4b:s1+s3], $0x80, v4, vm0, $0xb8;
	[tilespmem:$0x10200] =	vst v63  }
0x174: {  	s24 =	simm.s32 $0xDA00  }
0x175: {  	[tilespmem:s24], [sflag:$0x4] =	stream.indirect_vreg.gather [hbm4b:s1+s3], $0x80, v3, vm0, $0xb8;
	[tilespmem:$0x10200] =	vst v63  }
0x176: {  	v3 =	vld [tilespmem:$0x1E0];
	_ =	sdelay $0x4  }
0x177: {  	v62 =	vshll.u32 v3, $0x1  }
0x178: {  	v3 =	vand.u32 $0x7, v3;
	v4 =	vand.u32 $0xFFFFFFF0, v62  }
0x179: {  	v3 =	vor.u32 v3, v4  }
0x17a: {  	v4 =	vperm.xlane v3, v0;
	_ =	sdelay $0x1  }
0x17b: {  	v3 =	vperm.xlane v3, v2;
	v4 =	vadd.s32 v1, v4;
	_ =	sdelay $0x1  }
0x17c: {  	v3 =	vadd.s32 v1, v3;
	_ =	sdelay $0x1  }
0x17d: {  	s24 =	simm.s32 $0xE200  }
0x17e: {  	[tilespmem:s24], [sflag:$0x4] =	stream.indirect_vreg.gather [hbm4b:s1+s3], $0x80, v4, vm0, $0xb8;
	[tilespmem:$0x10200] =	vst v63  }
0x17f: {  	s24 =	simm.s32 $0xEA00  }
0x180: {  	[tilespmem:s24], [sflag:$0x4] =	stream.indirect_vreg.gather [hbm4b:s1+s3], $0x80, v3, vm0, $0xb8;
	[tilespmem:$0x10200] =	vst v63  }
0x181: {  	v3 =	vld [tilespmem:$0x1F0];
	_ =	sdelay $0x4  }
0x182: {  	v63 =	vshll.u32 v3, $0x1  }
0x183: {  	v3 =	vand.u32 $0x7, v3;
	v4 =	vand.u32 $0xFFFFFFF0, v63  }
0x184: {  	v3 =	vor.u32 v3, v4  }
0x185: {  	v4 =	vperm.xlane v3, v0;
	_ =	sdelay $0x1  }
0x186: {  	v3 =	vperm.xlane v3, v2;
	v4 =	vadd.s32 v1, v4;
	_ =	sdelay $0x1  }
0x187: {  	v3 =	vadd.s32 v1, v3;
	_ =	sdelay $0x1  }
0x188: {  	s24 =	simm.s32 $0xF200  }
0x189: {  	[tilespmem:s24], [sflag:$0x4] =	stream.indirect_vreg.gather [hbm4b:s1+s3], $0x80, v4, vm0, $0xb8;
	[tilespmem:$0x10200] =	vst v63  }
0x18a: {  	s4 =	simm.s32 $0xFA00  }
0x18b: {  	[tilespmem:s4], [sflag:$0x4] =	stream.indirect_vreg.gather [hbm4b:s1+s3], $0x80, v3, vm0, $0xb8;
	[tilespmem:$0x10200] =	vst v63  }
0x18c: {  	s7 =	simm.s32 $0x200;
	s24 =	rddreg [dreg:$0x8]  }
0x18d: {  	[hbm4b:s24+s3] =	stream.linear.scatter [tilespmem:s7], [sflag:$0x5], $0x4000, $0x38;
	[tilespmem:$0x10200] =	vst v63  }
0x18e: {  	_ =	swait.ge [sflag:s6], $0x4000  }
0x18f: {  	[sflag:s6] =	ssyncset.done $0x0  }
0x190: {  	s4 =	rddreg [dreg:$0x9];
	[sflag:s6] =	ssyncadd.s32 $0xFFFFC000  }
0x191: {  	[hbm4b:s4+s3] =	stream.linear.scatter [tilespmem:s23], [sflag:$0x6], $0x4000, $0x38;
	[tilespmem:$0x10200] =	vst v63  }
0x192: {  	_ =	swait.ge [sflag:s25], $0x4000  }
0x193: {  	[sflag:s25] =	ssyncset.done $0x0  }
0x194: {  	s7 =	rddreg [dreg:$0xa];
	[sflag:s25] =	ssyncadd.s32 $0xFFFFC000  }
0x195: {  	[hbm4b:s7+s3] =	stream.linear.scatter [tilespmem:s0], [sflag:$0x7], $0x4000, $0x38;
	[tilespmem:$0x10200] =	vst v63  }
0x196: {  	_ =	swait.ge [sflag:s20], $0x4000  }
0x197: {  	[sflag:s20] =	ssyncset.done $0x0  }
0x198: {  	s25 =	rddreg [dreg:$0xb];
	[sflag:s20] =	ssyncadd.s32 $0xFFFFC000  }
0x199: {  	[hbm4b:s25+s3] =	stream.linear.scatter [tilespmem:s19], [sflag:$0x8], $0x4000, $0x38;
	[tilespmem:$0x10200] =	vst v63  }
0x19a: {  	_ =	swait.ge [sflag:s2], $0x4000  }
0x19b: {  	[sflag:s2] =	ssyncset.done $0x0  }
0x19c: {  	[sflag:s2] =	ssyncadd.s32 $0xFFFFC000  }
0x19d: {  	_ =	swait.ge [sflag:s15], $0x4000  }
0x19e: {  	[sflag:s15] =	ssyncset.done $0x0  }
0x19f: {  	[sflag:s15] =	ssyncadd.s32 $0xFFFFC000  }
0x1a0: {  	p0 =	sne.s32 s5, $0x1;
	_ =	swait.ge [sflag:s21], $0x4000  }
.Ltmp0:
0x1a1: {  	[sflag:s21] =	ssyncset.done $0x0;
	(pc) =	sbr.rel @p0 .LBB2_1-.Ltmp0, $4  }
0x1a2: {  	[sflag:s21] =	ssyncadd.s32 $0xFFFFC000  }
0x1a3: {  	_ =	swait.ge [sflag:s22], $0x4000  }
0x1a4: {  	[sflag:s22] =	ssyncset.done $0x0  }
0x1a5: {  	s5 =	sadd.s32 $0xFFFFFFFF, s5;
	[sflag:s22] =	ssyncadd.s32 $0xFFFFC000  }
0x1a6: {  	_ =	sfence.sel $0x180000  }
0x1a7: {  	[bflag:$0x0] =	sbarrier.arrive $0xFFFF  }
0x1a8: {  	_ =	strace $0x90000047  }
0x1a9: {  	s0 =	stileid.u32;
	[bflag:$0x2] =	sbarrier.arrive $0xFFFF  }
0x1aa: {  	p0 =	sne.s32 s0, $0x0;
	s0 =	rddreg [dreg:$0x3]  }
0x1ab: {  	s0 =	sadd.s32 @!p0 $0x100000, s0  }
0x1ac: {  	[sflag:s0] =	ssyncadd.tile.s32 @!p0 $0x1;
	_ =	shalt  }
.Lfunc_end2:
_tile_overlayer_lowered:
.L_overlay_start_2:
0x1ad: {  	(tag) =	ssettag $0x2  }
0x1ae: {  	s0 =	rddreg [dreg:$0x0];
	s2 =	stileid.u32  }
0x1af: {  	s1 =	rddreg [dreg:$0x1];
	p0 =	sne.s32 s2, $0x0  }
0x1b0: {  	s3 =	rddreg [dreg:$0x2];
	[bflag:$0x3] =	sbarrier.arrive $0xFFFF;
	s2 =	simm.s32 @!p0 $0x1C09  }
0x1b1: {  	[timem:s3], [sflag:s2] =	dma.local @!p0 [hbm:s0], s1  }
0x1b2: {  	s0 =	simm.s32 @!p0 $0x9  }
0x1b3: {  	_ =	swait.ge @!p0 [sflag:s0], s1  }
0x1b4: {  	s1 =	ssub.s32 @!p0 $0x0, s1;
	[sflag:s0] =	ssyncset.done @!p0 $0x0  }
0x1b5: {  	[sflag:s0] =	ssyncadd.s32 @!p0 s1  }
0x1b6: {  	[bflag:$0x3] =	sbarrier.arrive $0xFFFF  }
0x1b7: {  	_ =	shalt  }

</sc_bundles>
